<compile_context>
chip_gen: v7x
topology: tpu7x:2x2x1
jax: 0.10.2.dev20260603
libtpu: 0.0.44.dev20260713+nightly
codegen_flags: <defaults>
</compile_context>

<pallas_src>
import functools

import jax
import jax.numpy as jnp
from jax import lax
from jax.experimental import pallas as pl
from jax.experimental.pallas import tpu as pltpu
from jax.experimental.pallas import tpu_sc as plsc

NUM_CORES = 2
NUM_SUBCORES = 16
LANES = 16
NW = NUM_CORES * NUM_SUBCORES

ROWS = 128


def _body(x_hbm, locs_hbm, coeffs_hbm, out_hbm,
          locs_v, coeffs_v, xb0, xb1, ob0, ob1, is0, is1, os0, os1):
  B, A = x_hbm.shape
  S = locs_hbm.shape[0] // A
  cpw = A // NW
  n_groups = cpw // LANES
  n_chunks = B // ROWS

  wid = lax.axis_index("s") * NUM_CORES + lax.axis_index("c")
  c0 = wid * cpw

  pltpu.sync_copy(locs_hbm.at[pl.ds(c0 * S, cpw * S)], locs_v)
  pltpu.sync_copy(coeffs_hbm.at[pl.ds(c0 * S, cpw * S)], coeffs_v)

  bufs = ((xb0, ob0, is0, os0), (xb1, ob1, is1, os1))

  def in_copy(g, xb, sem):
    return pltpu.make_async_copy(
        x_hbm.at[pl.ds(g * ROWS, ROWS), pl.ds(c0, cpw)], xb, sem)

  def out_copy(g, ob, sem):
    return pltpu.make_async_copy(
        ob, out_hbm.at[pl.ds(g * ROWS, ROWS), pl.ds(c0, cpw)], sem)

  iota = lax.iota(jnp.int32, LANES)
  G = range(n_groups)
  bases = [(iota + (cg * LANES)) * S for cg in G]

  def do_chunk(xb, ob):
    def row_body(r, carry):
      xv = [xb[r, pl.ds(cg * LANES, LANES)] for cg in G]
      lo = [jnp.zeros((LANES,), jnp.int32) for _ in G]
      step = S // 2
      while step >= 1:
        v = [plsc.load_gather(locs_v, [bases[cg] + (lo[cg] + (step - 1))])
             for cg in G]
        lo = [jnp.where(v[cg] < xv[cg], lo[cg] + step, lo[cg]) for cg in G]
        step //= 2
      idx = [bases[cg] + jnp.maximum(lo[cg] - 1, 0) for cg in G]
      x0 = [plsc.load_gather(locs_v, [idx[cg]]) for cg in G]
      x1 = [plsc.load_gather(locs_v, [idx[cg] + 1]) for cg in G]
      y0 = [plsc.load_gather(coeffs_v, [idx[cg]]) for cg in G]
      y1 = [plsc.load_gather(coeffs_v, [idx[cg] + 1]) for cg in G]
      for cg in G:
        t = (xv[cg] - x0[cg]) / (x1[cg] - x0[cg] + 1e-6)
        ob[r, pl.ds(cg * LANES, LANES)] = y0[cg] + t * (y1[cg] - y0[cg])
      return carry
    lax.fori_loop(0, ROWS, row_body, 0)

  in_copy(0, xb0, is0).start()
  in_copy(1, xb1, is1).start()

  def outer(g2, carry):
    for b, (xb, ob, isem, osem) in enumerate(bufs):
      g = g2 * 2 + b
      in_copy(g, xb, isem).wait()

      @pl.when(g2 >= 1)
      def _wait_prev_out():
        out_copy(g - 2, ob, osem).wait()

      do_chunk(xb, ob)
      out_copy(g, ob, osem).start()

      @pl.when(g2 < n_chunks // 2 - 1)
      def _start_next_in():
        in_copy(g + 2, xb, isem).start()
    return carry

  lax.fori_loop(0, n_chunks // 2, outer, 0)

  out_copy(n_chunks - 2, ob0, os0).wait()
  out_copy(n_chunks - 1, ob1, os1).wait()


def kernel(x, locs, coeffs):
  B, A = x.shape
  S = locs.shape[1]
  cpw = A // NW
  mesh = plsc.VectorSubcoreMesh(core_axis_name="c", subcore_axis_name="s")
  f = functools.partial(
      pl.kernel,
      out_type=jax.ShapeDtypeStruct((B, A), jnp.float32),
      mesh=mesh,
      compiler_params=pltpu.CompilerParams(needs_layout_passes=False),
      scratch_types=[
          pltpu.VMEM((cpw * S,), jnp.float32),
          pltpu.VMEM((cpw * S,), jnp.float32),
          pltpu.VMEM((ROWS, cpw), jnp.float32),
          pltpu.VMEM((ROWS, cpw), jnp.float32),
          pltpu.VMEM((ROWS, cpw), jnp.float32),
          pltpu.VMEM((ROWS, cpw), jnp.float32),
          pltpu.SemaphoreType.DMA,
          pltpu.SemaphoreType.DMA,
          pltpu.SemaphoreType.DMA,
          pltpu.SemaphoreType.DMA,
      ],
  )(_body)
  return f(x, locs.reshape(A * S), coeffs.reshape(A * S))

# --- scband reference (transcript-rebuilt; emitter-appended) ---
"""Pipeline reference for scband-lspline-from-bspline-39874476376254 (READ-ONLY COPY).

The authoritative reference and input builder live on the scoring server;
editing this copy changes nothing except your own understanding.
"""

import jax, jax.numpy as jnp
import numpy as np

B = 8192   # tokens (batch*seq)
A = 4096   # num_activations (channels, one spline per channel)
S = 64     # grid points per spline


def setup_inputs(seed: int = 0) -> dict:
    key = jax.random.key(seed)
    k1, k2, k3 = jax.random.split(key, 3)
    x = jax.random.normal(k1, (B, A), dtype=jnp.float32) * 2.0
    # locs: sorted grid locations per spline (rows are ascending), like grid_tensor
    locs = jnp.sort(jax.random.uniform(k2, (A, S), dtype=jnp.float32, minval=-4.0, maxval=4.0), axis=1)
    # coeffs: spline values at the grid points
    coeffs = jax.random.normal(k3, (A, S), dtype=jnp.float32)
    return {"x": x, "locs": locs, "coeffs": coeffs}


def reference(x, locs, coeffs):
    # x: [B, A]; locs, coeffs: [A, S]
    g = x.T  # [A, B] group values by spline/channel
    # torch.searchsorted(right=False) == jnp.searchsorted(side='left'), row-wise
    idx = jax.vmap(lambda l, v: jnp.searchsorted(l, v, side='left'))(locs, g) - 1
    idx = jnp.clip(idx, 0, locs.shape[1] - 2)  # [A, B]
    x0 = jnp.take_along_axis(locs, idx, axis=1)
    x1 = jnp.take_along_axis(locs, idx + 1, axis=1)
    y0 = jnp.take_along_axis(coeffs, idx, axis=1)
    y1 = jnp.take_along_axis(coeffs, idx + 1, axis=1)
    t = (g - x0) / (x1 - x0 + 1e-06)
    out = y0 + t * (y1 - y0)
    return out.T  # [B, A]

if __name__ == "__main__":
    import jax
    _d = setup_inputs()
    print(jax.jit(kernel)(*tuple(_d.values())))

</pallas_src>

<mosaic_0001>
#map = affine_map<(d0, d1) -> (0, 0)>
#map1 = affine_map<(d0, d1) -> (0)>
module attributes {stable_mosaic.version = 14 : i64} {
  func.func @_body(%arg0: i32, %arg1: i32, %arg2: memref<8192x4096xf32, #tpu.memory_space<hbm>>, %arg3: memref<262144xf32, #tpu.memory_space<hbm>>, %arg4: memref<262144xf32, #tpu.memory_space<hbm>>, %arg5: memref<8192x4096xf32, #tpu.memory_space<hbm>>, %arg6: memref<8192xf32, #tpu.memory_space<vmem>>, %arg7: memref<8192xf32, #tpu.memory_space<vmem>>, %arg8: memref<128x128xf32, #tpu.memory_space<vmem>>, %arg9: memref<128x128xf32, #tpu.memory_space<vmem>>, %arg10: memref<128x128xf32, #tpu.memory_space<vmem>>, %arg11: memref<128x128xf32, #tpu.memory_space<vmem>>, %arg12: memref<!tpu.dma_semaphore, #tpu.memory_space<semaphore_mem>>, %arg13: memref<!tpu.dma_semaphore, #tpu.memory_space<semaphore_mem>>, %arg14: memref<!tpu.dma_semaphore, #tpu.memory_space<semaphore_mem>>, %arg15: memref<!tpu.dma_semaphore, #tpu.memory_space<semaphore_mem>>) attributes {dimension_semantics = [#tpu.dimension_semantics<core_parallel>, #tpu.dimension_semantics<subcore_parallel>], iteration_bounds = array<i64: 2, 16>, scalar_prefetch = 0 : i64, scratch_operands = 10 : i64, tpu.core_type = #tpu.core_type<sc_vector_subcore>, window_params = [{transform_indices = #map}, {transform_indices = #map1}, {transform_indices = #map1}, {transform_indices = #map}]} {
    %mul3A = arith.constant 2 : i32
    %mul3A_0 = arith.muli %arg1, %mul3A : i32
    %add3A = arith.addi %mul3A_0, %arg0 : i32
    %mul3A_1 = arith.constant 128 : i32
    %mul3A_2 = arith.muli %add3A, %mul3A_1 : i32
    %mul3A_3 = arith.constant 64 : i32
    %mul3A_4 = arith.muli %mul3A_2, %mul3A_3 : i32
    "tpu.region"() ({
      %run_scoped3A = tpu.sem_alloc : memref<!tpu.dma_semaphore, #tpu.memory_space<semaphore_mem>>
      %dma_start3A_74 = tpu.memref_slice %arg3[%mul3A_4] : memref<262144xf32, #tpu.memory_space<hbm>> -> memref<8192xf32, #tpu.memory_space<hbm>>
      %dma_start3A_75 = tpu.memref_slice %arg3[%mul3A_4] : memref<262144xf32, #tpu.memory_space<hbm>> -> memref<8192xf32, #tpu.memory_space<hbm>>
      tpu.enqueue_dma source(%dma_start3A_75 : memref<8192xf32, #tpu.memory_space<hbm>>) target(%arg6 : memref<8192xf32, #tpu.memory_space<vmem>>) target_semaphore(%run_scoped3A : memref<!tpu.dma_semaphore, #tpu.memory_space<semaphore_mem>>)
      %dma_wait3A_76 = tpu.memref_slice %arg3[%mul3A_4] : memref<262144xf32, #tpu.memory_space<hbm>> -> memref<8192xf32, #tpu.memory_space<hbm>>
      %dma_wait3A_77 = tpu.memref_slice %arg3[%mul3A_4] : memref<262144xf32, #tpu.memory_space<hbm>> -> memref<8192xf32, #tpu.memory_space<hbm>>
      tpu.wait_dma2 semaphore(%run_scoped3A : memref<!tpu.dma_semaphore, #tpu.memory_space<semaphore_mem>>) src(%dma_wait3A_77 : memref<8192xf32, #tpu.memory_space<hbm>>) dst(%arg6 : memref<8192xf32, #tpu.memory_space<vmem>>)
      tpu.yield
    }) : () -> ()
    %mul3A_5 = arith.constant 64 : i32
    %mul3A_6 = arith.muli %mul3A_2, %mul3A_5 : i32
    "tpu.region"() ({
      %run_scoped3A = tpu.sem_alloc : memref<!tpu.dma_semaphore, #tpu.memory_space<semaphore_mem>>
      %dma_start3A_74 = tpu.memref_slice %arg4[%mul3A_6] : memref<262144xf32, #tpu.memory_space<hbm>> -> memref<8192xf32, #tpu.memory_space<hbm>>
      %dma_start3A_75 = tpu.memref_slice %arg4[%mul3A_6] : memref<262144xf32, #tpu.memory_space<hbm>> -> memref<8192xf32, #tpu.memory_space<hbm>>
      tpu.enqueue_dma source(%dma_start3A_75 : memref<8192xf32, #tpu.memory_space<hbm>>) target(%arg7 : memref<8192xf32, #tpu.memory_space<vmem>>) target_semaphore(%run_scoped3A : memref<!tpu.dma_semaphore, #tpu.memory_space<semaphore_mem>>)
      %dma_wait3A_76 = tpu.memref_slice %arg4[%mul3A_6] : memref<262144xf32, #tpu.memory_space<hbm>> -> memref<8192xf32, #tpu.memory_space<hbm>>
      %dma_wait3A_77 = tpu.memref_slice %arg4[%mul3A_6] : memref<262144xf32, #tpu.memory_space<hbm>> -> memref<8192xf32, #tpu.memory_space<hbm>>
      tpu.wait_dma2 semaphore(%run_scoped3A : memref<!tpu.dma_semaphore, #tpu.memory_space<semaphore_mem>>) src(%dma_wait3A_77 : memref<8192xf32, #tpu.memory_space<hbm>>) dst(%arg7 : memref<8192xf32, #tpu.memory_space<vmem>>)
      tpu.yield
    }) : () -> ()
    %iota3A = tpu.iota {dimensions = array<i32: 0>} : vector<16xi32>
    %add3A_7 = arith.constant 0 : i32
    %add3A_8 = vector.broadcast %add3A_7 : i32 to vector<16xi32>
    %add3A_9 = arith.addi %iota3A, %add3A_8 : vector<16xi32>
    %mul3A_10 = arith.constant 64 : i32
    %mul3A_11 = vector.broadcast %mul3A_10 : i32 to vector<16xi32>
    %mul3A_12 = arith.muli %add3A_9, %mul3A_11 : vector<16xi32>
    %add3A_13 = arith.constant 16 : i32
    %add3A_14 = vector.broadcast %add3A_13 : i32 to vector<16xi32>
    %add3A_15 = arith.addi %iota3A, %add3A_14 : vector<16xi32>
    %mul3A_16 = arith.constant 64 : i32
    %mul3A_17 = vector.broadcast %mul3A_16 : i32 to vector<16xi32>
    %mul3A_18 = arith.muli %add3A_15, %mul3A_17 : vector<16xi32>
    %add3A_19 = arith.constant 32 : i32
    %add3A_20 = vector.broadcast %add3A_19 : i32 to vector<16xi32>
    %add3A_21 = arith.addi %iota3A, %add3A_20 : vector<16xi32>
    %mul3A_22 = arith.constant 64 : i32
    %mul3A_23 = vector.broadcast %mul3A_22 : i32 to vector<16xi32>
    %mul3A_24 = arith.muli %add3A_21, %mul3A_23 : vector<16xi32>
    %add3A_25 = arith.constant 48 : i32
    %add3A_26 = vector.broadcast %add3A_25 : i32 to vector<16xi32>
    %add3A_27 = arith.addi %iota3A, %add3A_26 : vector<16xi32>
    %mul3A_28 = arith.constant 64 : i32
    %mul3A_29 = vector.broadcast %mul3A_28 : i32 to vector<16xi32>
    %mul3A_30 = arith.muli %add3A_27, %mul3A_29 : vector<16xi32>
    %add3A_31 = arith.constant 64 : i32
    %add3A_32 = vector.broadcast %add3A_31 : i32 to vector<16xi32>
    %add3A_33 = arith.addi %iota3A, %add3A_32 : vector<16xi32>
    %mul3A_34 = arith.constant 64 : i32
    %mul3A_35 = vector.broadcast %mul3A_34 : i32 to vector<16xi32>
    %mul3A_36 = arith.muli %add3A_33, %mul3A_35 : vector<16xi32>
    %add3A_37 = arith.constant 80 : i32
    %add3A_38 = vector.broadcast %add3A_37 : i32 to vector<16xi32>
    %add3A_39 = arith.addi %iota3A, %add3A_38 : vector<16xi32>
    %mul3A_40 = arith.constant 64 : i32
    %mul3A_41 = vector.broadcast %mul3A_40 : i32 to vector<16xi32>
    %mul3A_42 = arith.muli %add3A_39, %mul3A_41 : vector<16xi32>
    %add3A_43 = arith.constant 96 : i32
    %add3A_44 = vector.broadcast %add3A_43 : i32 to vector<16xi32>
    %add3A_45 = arith.addi %iota3A, %add3A_44 : vector<16xi32>
    %mul3A_46 = arith.constant 64 : i32
    %mul3A_47 = vector.broadcast %mul3A_46 : i32 to vector<16xi32>
    %mul3A_48 = arith.muli %add3A_45, %mul3A_47 : vector<16xi32>
    %add3A_49 = arith.constant 112 : i32
    %add3A_50 = vector.broadcast %add3A_49 : i32 to vector<16xi32>
    %add3A_51 = arith.addi %iota3A, %add3A_50 : vector<16xi32>
    %mul3A_52 = arith.constant 64 : i32
    %mul3A_53 = vector.broadcast %mul3A_52 : i32 to vector<16xi32>
    %mul3A_54 = arith.muli %add3A_51, %mul3A_53 : vector<16xi32>
    %dma_start3A = arith.constant 0 : i32
    %dma_start3A_55 = tpu.memref_slice %arg2[%dma_start3A, %mul3A_2] : memref<8192x4096xf32, #tpu.memory_space<hbm>> -> memref<128x128xf32, #tpu.memory_space<hbm>>
    %dma_start3A_56 = arith.constant 0 : i32
    %dma_start3A_57 = tpu.memref_slice %arg2[%dma_start3A_56, %mul3A_2] : memref<8192x4096xf32, #tpu.memory_space<hbm>> -> memref<128x128xf32, #tpu.memory_space<hbm>>
    tpu.enqueue_dma source(%dma_start3A_57 : memref<128x128xf32, #tpu.memory_space<hbm>>) target(%arg8 : memref<128x128xf32, #tpu.memory_space<vmem>>) target_semaphore(%arg12 : memref<!tpu.dma_semaphore, #tpu.memory_space<semaphore_mem>>)
    %dma_start3A_58 = arith.constant 128 : i32
    %dma_start3A_59 = tpu.memref_slice %arg2[%dma_start3A_58, %mul3A_2] : memref<8192x4096xf32, #tpu.memory_space<hbm>> -> memref<128x128xf32, #tpu.memory_space<hbm>>
    %dma_start3A_60 = arith.constant 128 : i32
    %dma_start3A_61 = tpu.memref_slice %arg2[%dma_start3A_60, %mul3A_2] : memref<8192x4096xf32, #tpu.memory_space<hbm>> -> memref<128x128xf32, #tpu.memory_space<hbm>>
    tpu.enqueue_dma source(%dma_start3A_61 : memref<128x128xf32, #tpu.memory_space<hbm>>) target(%arg9 : memref<128x128xf32, #tpu.memory_space<vmem>>) target_semaphore(%arg13 : memref<!tpu.dma_semaphore, #tpu.memory_space<semaphore_mem>>)
    %scan3A = arith.constant 0 : i32
    %scan3A_62 = arith.constant 0 : i32
    %scan3A_63 = arith.constant 32 : i32
    %scan3A_64 = arith.addi %scan3A_62, %scan3A_63 : i32
    %scan3A_65 = arith.constant 1 : i32
    scf.for %scan3A_74 = %scan3A_62 to %scan3A_64 step %scan3A_65  : i32 {
      %mul3A_75 = arith.constant 2 : i32
      %mul3A_76 = arith.muli %scan3A_74, %mul3A_75 : i32
      %add3A_77 = arith.constant 0 : i32
      %add3A_78 = arith.addi %mul3A_76, %add3A_77 : i32
      %mul3A_79 = arith.constant 128 : i32
      %mul3A_80 = arith.muli %add3A_78, %mul3A_79 : i32
      %dma_wait3A_81 = tpu.memref_slice %arg2[%mul3A_80, %mul3A_2] : memref<8192x4096xf32, #tpu.memory_space<hbm>> -> memref<128x128xf32, #tpu.memory_space<hbm>>
      %dma_wait3A_82 = tpu.memref_slice %arg2[%mul3A_80, %mul3A_2] : memref<8192x4096xf32, #tpu.memory_space<hbm>> -> memref<128x128xf32, #tpu.memory_space<hbm>>
      tpu.wait_dma2 semaphore(%arg12 : memref<!tpu.dma_semaphore, #tpu.memory_space<semaphore_mem>>) src(%dma_wait3A_82 : memref<128x128xf32, #tpu.memory_space<hbm>>) dst(%arg8 : memref<128x128xf32, #tpu.memory_space<vmem>>)
      %ge3A = arith.constant 1 : i32
      %ge3A_83 = arith.cmpi sge, %scan3A_74, %ge3A : i32
      %convert_element_type3A = arith.extui %ge3A_83 : i1 to i32
      %cond3A = arith.constant 0 : i32
      %cond3A_84 = arith.cmpi ne, %convert_element_type3A, %cond3A : i32
      scf.if %cond3A_84 {
        %sub3A = arith.constant 2 : i32
        %sub3A_127 = arith.subi %add3A_78, %sub3A : i32
        %mul3A_128 = arith.constant 128 : i32
        %mul3A_129 = arith.muli %sub3A_127, %mul3A_128 : i32
        %dma_wait3A_130 = tpu.memref_slice %arg5[%mul3A_129, %mul3A_2] : memref<8192x4096xf32, #tpu.memory_space<hbm>> -> memref<128x128xf32, #tpu.memory_space<hbm>>
        %dma_wait3A_131 = tpu.memref_slice %arg5[%mul3A_129, %mul3A_2] : memref<8192x4096xf32, #tpu.memory_space<hbm>> -> memref<128x128xf32, #tpu.memory_space<hbm>>
        tpu.wait_dma2 semaphore(%arg14 : memref<!tpu.dma_semaphore, #tpu.memory_space<semaphore_mem>>) src(%arg10 : memref<128x128xf32, #tpu.memory_space<vmem>>) dst(%dma_wait3A_131 : memref<128x128xf32, #tpu.memory_space<hbm>>)
      } else {
      }
      %scan3A_85 = arith.constant 0 : i32
      %scan3A_86 = arith.constant 0 : i32
      %scan3A_87 = arith.constant 128 : i32
      %scan3A_88 = arith.addi %scan3A_86, %scan3A_87 : i32
      %scan3A_89 = arith.constant 1 : i32
      scf.for %scan3A_127 = %scan3A_86 to %scan3A_88 step %scan3A_89  : i32 {
        %get3A = arith.index_cast %scan3A_127 : i32 to index
        %get3A_128 = arith.constant 0 : index
        %get3A_129 = tpu.vector_load %arg8[%get3A, %get3A_128] {strides = array<i32>} : memref<128x128xf32, #tpu.memory_space<vmem>>, vector<16xf32>,
        %get3A_130 = arith.index_cast %scan3A_127 : i32 to index
        %get3A_131 = arith.constant 16 : index
        %get3A_132 = tpu.vector_load %arg8[%get3A_130, %get3A_131] {strides = array<i32>} : memref<128x128xf32, #tpu.memory_space<vmem>>, vector<16xf32>,
        %get3A_133 = arith.index_cast %scan3A_127 : i32 to index
        %get3A_134 = arith.constant 32 : index
        %get3A_135 = tpu.vector_load %arg8[%get3A_133, %get3A_134] {strides = array<i32>} : memref<128x128xf32, #tpu.memory_space<vmem>>, vector<16xf32>,
        %get3A_136 = arith.index_cast %scan3A_127 : i32 to index
        %get3A_137 = arith.constant 48 : index
        %get3A_138 = tpu.vector_load %arg8[%get3A_136, %get3A_137] {strides = array<i32>} : memref<128x128xf32, #tpu.memory_space<vmem>>, vector<16xf32>,
        %get3A_139 = arith.index_cast %scan3A_127 : i32 to index
        %get3A_140 = arith.constant 64 : index
        %get3A_141 = tpu.vector_load %arg8[%get3A_139, %get3A_140] {strides = array<i32>} : memref<128x128xf32, #tpu.memory_space<vmem>>, vector<16xf32>,
        %get3A_142 = arith.index_cast %scan3A_127 : i32 to index
        %get3A_143 = arith.constant 80 : index
        %get3A_144 = tpu.vector_load %arg8[%get3A_142, %get3A_143] {strides = array<i32>} : memref<128x128xf32, #tpu.memory_space<vmem>>, vector<16xf32>,
        %get3A_145 = arith.index_cast %scan3A_127 : i32 to index
        %get3A_146 = arith.constant 96 : index
        %get3A_147 = tpu.vector_load %arg8[%get3A_145, %get3A_146] {strides = array<i32>} : memref<128x128xf32, #tpu.memory_space<vmem>>, vector<16xf32>,
        %get3A_148 = arith.index_cast %scan3A_127 : i32 to index
        %get3A_149 = arith.constant 112 : index
        %get3A_150 = tpu.vector_load %arg8[%get3A_148, %get3A_149] {strides = array<i32>} : memref<128x128xf32, #tpu.memory_space<vmem>>, vector<16xf32>,
        %broadcast_in_dim3A = arith.constant 0 : i32
        %broadcast_in_dim3A_151 = vector.broadcast %broadcast_in_dim3A : i32 to vector<16xi32>
        %broadcast_in_dim3A_152 = arith.constant 0 : i32
        %broadcast_in_dim3A_153 = vector.broadcast %broadcast_in_dim3A_152 : i32 to vector<16xi32>
        %broadcast_in_dim3A_154 = arith.constant 0 : i32
        %broadcast_in_dim3A_155 = vector.broadcast %broadcast_in_dim3A_154 : i32 to vector<16xi32>
        %broadcast_in_dim3A_156 = arith.constant 0 : i32
        %broadcast_in_dim3A_157 = vector.broadcast %broadcast_in_dim3A_156 : i32 to vector<16xi32>
        %broadcast_in_dim3A_158 = arith.constant 0 : i32
        %broadcast_in_dim3A_159 = vector.broadcast %broadcast_in_dim3A_158 : i32 to vector<16xi32>
        %broadcast_in_dim3A_160 = arith.constant 0 : i32
        %broadcast_in_dim3A_161 = vector.broadcast %broadcast_in_dim3A_160 : i32 to vector<16xi32>
        %broadcast_in_dim3A_162 = arith.constant 0 : i32
        %broadcast_in_dim3A_163 = vector.broadcast %broadcast_in_dim3A_162 : i32 to vector<16xi32>
        %broadcast_in_dim3A_164 = arith.constant 0 : i32
        %broadcast_in_dim3A_165 = vector.broadcast %broadcast_in_dim3A_164 : i32 to vector<16xi32>
        %add3A_166 = arith.constant 31 : i32
        %add3A_167 = vector.broadcast %add3A_166 : i32 to vector<16xi32>
        %add3A_168 = arith.addi %broadcast_in_dim3A_151, %add3A_167 : vector<16xi32>
        %add3A_169 = arith.addi %mul3A_12, %add3A_168 : vector<16xi32>
        %gather3A = tpu.vector_load_idx %arg6[%add3A_169] : memref<8192xf32, #tpu.memory_space<vmem>>[vector<16xi32>], vector<16xf32>,
        %add3A_170 = arith.constant 31 : i32
        %add3A_171 = vector.broadcast %add3A_170 : i32 to vector<16xi32>
        %add3A_172 = arith.addi %broadcast_in_dim3A_153, %add3A_171 : vector<16xi32>
        %add3A_173 = arith.addi %mul3A_18, %add3A_172 : vector<16xi32>
        %gather3A_174 = tpu.vector_load_idx %arg6[%add3A_173] : memref<8192xf32, #tpu.memory_space<vmem>>[vector<16xi32>], vector<16xf32>,
        %add3A_175 = arith.constant 31 : i32
        %add3A_176 = vector.broadcast %add3A_175 : i32 to vector<16xi32>
        %add3A_177 = arith.addi %broadcast_in_dim3A_155, %add3A_176 : vector<16xi32>
        %add3A_178 = arith.addi %mul3A_24, %add3A_177 : vector<16xi32>
        %gather3A_179 = tpu.vector_load_idx %arg6[%add3A_178] : memref<8192xf32, #tpu.memory_space<vmem>>[vector<16xi32>], vector<16xf32>,
        %add3A_180 = arith.constant 31 : i32
        %add3A_181 = vector.broadcast %add3A_180 : i32 to vector<16xi32>
        %add3A_182 = arith.addi %broadcast_in_dim3A_157, %add3A_181 : vector<16xi32>
        %add3A_183 = arith.addi %mul3A_30, %add3A_182 : vector<16xi32>
        %gather3A_184 = tpu.vector_load_idx %arg6[%add3A_183] : memref<8192xf32, #tpu.memory_space<vmem>>[vector<16xi32>], vector<16xf32>,
        %add3A_185 = arith.constant 31 : i32
        %add3A_186 = vector.broadcast %add3A_185 : i32 to vector<16xi32>
        %add3A_187 = arith.addi %broadcast_in_dim3A_159, %add3A_186 : vector<16xi32>
        %add3A_188 = arith.addi %mul3A_36, %add3A_187 : vector<16xi32>
        %gather3A_189 = tpu.vector_load_idx %arg6[%add3A_188] : memref<8192xf32, #tpu.memory_space<vmem>>[vector<16xi32>], vector<16xf32>,
        %add3A_190 = arith.constant 31 : i32
        %add3A_191 = vector.broadcast %add3A_190 : i32 to vector<16xi32>
        %add3A_192 = arith.addi %broadcast_in_dim3A_161, %add3A_191 : vector<16xi32>
        %add3A_193 = arith.addi %mul3A_42, %add3A_192 : vector<16xi32>
        %gather3A_194 = tpu.vector_load_idx %arg6[%add3A_193] : memref<8192xf32, #tpu.memory_space<vmem>>[vector<16xi32>], vector<16xf32>,
        %add3A_195 = arith.constant 31 : i32
        %add3A_196 = vector.broadcast %add3A_195 : i32 to vector<16xi32>
        %add3A_197 = arith.addi %broadcast_in_dim3A_163, %add3A_196 : vector<16xi32>
        %add3A_198 = arith.addi %mul3A_48, %add3A_197 : vector<16xi32>
        %gather3A_199 = tpu.vector_load_idx %arg6[%add3A_198] : memref<8192xf32, #tpu.memory_space<vmem>>[vector<16xi32>], vector<16xf32>,
        %add3A_200 = arith.constant 31 : i32
        %add3A_201 = vector.broadcast %add3A_200 : i32 to vector<16xi32>
        %add3A_202 = arith.addi %broadcast_in_dim3A_165, %add3A_201 : vector<16xi32>
        %add3A_203 = arith.addi %mul3A_54, %add3A_202 : vector<16xi32>
        %gather3A_204 = tpu.vector_load_idx %arg6[%add3A_203] : memref<8192xf32, #tpu.memory_space<vmem>>[vector<16xi32>], vector<16xf32>,
        %lt3A_205 = arith.cmpf olt, %gather3A, %get3A_129 : vector<16xf32>
        %add3A_206 = arith.constant 32 : i32
        %add3A_207 = vector.broadcast %add3A_206 : i32 to vector<16xi32>
        %add3A_208 = arith.addi %broadcast_in_dim3A_151, %add3A_207 : vector<16xi32>
        %select_n3A = arith.select %lt3A_205, %add3A_208, %broadcast_in_dim3A_151 : vector<16xi1>, vector<16xi32>
        %lt3A_209 = arith.cmpf olt, %gather3A_174, %get3A_132 : vector<16xf32>
        %add3A_210 = arith.constant 32 : i32
        %add3A_211 = vector.broadcast %add3A_210 : i32 to vector<16xi32>
        %add3A_212 = arith.addi %broadcast_in_dim3A_153, %add3A_211 : vector<16xi32>
        %select_n3A_213 = arith.select %lt3A_209, %add3A_212, %broadcast_in_dim3A_153 : vector<16xi1>, vector<16xi32>
        %lt3A_214 = arith.cmpf olt, %gather3A_179, %get3A_135 : vector<16xf32>
        %add3A_215 = arith.constant 32 : i32
        %add3A_216 = vector.broadcast %add3A_215 : i32 to vector<16xi32>
        %add3A_217 = arith.addi %broadcast_in_dim3A_155, %add3A_216 : vector<16xi32>
        %select_n3A_218 = arith.select %lt3A_214, %add3A_217, %broadcast_in_dim3A_155 : vector<16xi1>, vector<16xi32>
        %lt3A_219 = arith.cmpf olt, %gather3A_184, %get3A_138 : vector<16xf32>
        %add3A_220 = arith.constant 32 : i32
        %add3A_221 = vector.broadcast %add3A_220 : i32 to vector<16xi32>
        %add3A_222 = arith.addi %broadcast_in_dim3A_157, %add3A_221 : vector<16xi32>
        %select_n3A_223 = arith.select %lt3A_219, %add3A_222, %broadcast_in_dim3A_157 : vector<16xi1>, vector<16xi32>
        %lt3A_224 = arith.cmpf olt, %gather3A_189, %get3A_141 : vector<16xf32>
        %add3A_225 = arith.constant 32 : i32
        %add3A_226 = vector.broadcast %add3A_225 : i32 to vector<16xi32>
        %add3A_227 = arith.addi %broadcast_in_dim3A_159, %add3A_226 : vector<16xi32>
        %select_n3A_228 = arith.select %lt3A_224, %add3A_227, %broadcast_in_dim3A_159 : vector<16xi1>, vector<16xi32>
        %lt3A_229 = arith.cmpf olt, %gather3A_194, %get3A_144 : vector<16xf32>
        %add3A_230 = arith.constant 32 : i32
        %add3A_231 = vector.broadcast %add3A_230 : i32 to vector<16xi32>
        %add3A_232 = arith.addi %broadcast_in_dim3A_161, %add3A_231 : vector<16xi32>
        %select_n3A_233 = arith.select %lt3A_229, %add3A_232, %broadcast_in_dim3A_161 : vector<16xi1>, vector<16xi32>
        %lt3A_234 = arith.cmpf olt, %gather3A_199, %get3A_147 : vector<16xf32>
        %add3A_235 = arith.constant 32 : i32
        %add3A_236 = vector.broadcast %add3A_235 : i32 to vector<16xi32>
        %add3A_237 = arith.addi %broadcast_in_dim3A_163, %add3A_236 : vector<16xi32>
        %select_n3A_238 = arith.select %lt3A_234, %add3A_237, %broadcast_in_dim3A_163 : vector<16xi1>, vector<16xi32>
        %lt3A_239 = arith.cmpf olt, %gather3A_204, %get3A_150 : vector<16xf32>
        %add3A_240 = arith.constant 32 : i32
        %add3A_241 = vector.broadcast %add3A_240 : i32 to vector<16xi32>
        %add3A_242 = arith.addi %broadcast_in_dim3A_165, %add3A_241 : vector<16xi32>
        %select_n3A_243 = arith.select %lt3A_239, %add3A_242, %broadcast_in_dim3A_165 : vector<16xi1>, vector<16xi32>
        %add3A_244 = arith.constant 15 : i32
        %add3A_245 = vector.broadcast %add3A_244 : i32 to vector<16xi32>
        %add3A_246 = arith.addi %select_n3A, %add3A_245 : vector<16xi32>
        %add3A_247 = arith.addi %mul3A_12, %add3A_246 : vector<16xi32>
        %gather3A_248 = tpu.vector_load_idx %arg6[%add3A_247] : memref<8192xf32, #tpu.memory_space<vmem>>[vector<16xi32>], vector<16xf32>,
        %add3A_249 = arith.constant 15 : i32
        %add3A_250 = vector.broadcast %add3A_249 : i32 to vector<16xi32>
        %add3A_251 = arith.addi %select_n3A_213, %add3A_250 : vector<16xi32>
        %add3A_252 = arith.addi %mul3A_18, %add3A_251 : vector<16xi32>
        %gather3A_253 = tpu.vector_load_idx %arg6[%add3A_252] : memref<8192xf32, #tpu.memory_space<vmem>>[vector<16xi32>], vector<16xf32>,
        %add3A_254 = arith.constant 15 : i32
        %add3A_255 = vector.broadcast %add3A_254 : i32 to vector<16xi32>
        %add3A_256 = arith.addi %select_n3A_218, %add3A_255 : vector<16xi32>
        %add3A_257 = arith.addi %mul3A_24, %add3A_256 : vector<16xi32>
        %gather3A_258 = tpu.vector_load_idx %arg6[%add3A_257] : memref<8192xf32, #tpu.memory_space<vmem>>[vector<16xi32>], vector<16xf32>,
        %add3A_259 = arith.constant 15 : i32
        %add3A_260 = vector.broadcast %add3A_259 : i32 to vector<16xi32>
        %add3A_261 = arith.addi %select_n3A_223, %add3A_260 : vector<16xi32>
        %add3A_262 = arith.addi %mul3A_30, %add3A_261 : vector<16xi32>
        %gather3A_263 = tpu.vector_load_idx %arg6[%add3A_262] : memref<8192xf32, #tpu.memory_space<vmem>>[vector<16xi32>], vector<16xf32>,
        %add3A_264 = arith.constant 15 : i32
        %add3A_265 = vector.broadcast %add3A_264 : i32 to vector<16xi32>
        %add3A_266 = arith.addi %select_n3A_228, %add3A_265 : vector<16xi32>
        %add3A_267 = arith.addi %mul3A_36, %add3A_266 : vector<16xi32>
        %gather3A_268 = tpu.vector_load_idx %arg6[%add3A_267] : memref<8192xf32, #tpu.memory_space<vmem>>[vector<16xi32>], vector<16xf32>,
        %add3A_269 = arith.constant 15 : i32
        %add3A_270 = vector.broadcast %add3A_269 : i32 to vector<16xi32>
        %add3A_271 = arith.addi %select_n3A_233, %add3A_270 : vector<16xi32>
        %add3A_272 = arith.addi %mul3A_42, %add3A_271 : vector<16xi32>
        %gather3A_273 = tpu.vector_load_idx %arg6[%add3A_272] : memref<8192xf32, #tpu.memory_space<vmem>>[vector<16xi32>], vector<16xf32>,
        %add3A_274 = arith.constant 15 : i32
        %add3A_275 = vector.broadcast %add3A_274 : i32 to vector<16xi32>
        %add3A_276 = arith.addi %select_n3A_238, %add3A_275 : vector<16xi32>
        %add3A_277 = arith.addi %mul3A_48, %add3A_276 : vector<16xi32>
        %gather3A_278 = tpu.vector_load_idx %arg6[%add3A_277] : memref<8192xf32, #tpu.memory_space<vmem>>[vector<16xi32>], vector<16xf32>,
        %add3A_279 = arith.constant 15 : i32
        %add3A_280 = vector.broadcast %add3A_279 : i32 to vector<16xi32>
        %add3A_281 = arith.addi %select_n3A_243, %add3A_280 : vector<16xi32>
        %add3A_282 = arith.addi %mul3A_54, %add3A_281 : vector<16xi32>
        %gather3A_283 = tpu.vector_load_idx %arg6[%add3A_282] : memref<8192xf32, #tpu.memory_space<vmem>>[vector<16xi32>], vector<16xf32>,
        %lt3A_284 = arith.cmpf olt, %gather3A_248, %get3A_129 : vector<16xf32>
        %add3A_285 = arith.constant 16 : i32
        %add3A_286 = vector.broadcast %add3A_285 : i32 to vector<16xi32>
        %add3A_287 = arith.addi %select_n3A, %add3A_286 : vector<16xi32>
        %select_n3A_288 = arith.select %lt3A_284, %add3A_287, %select_n3A : vector<16xi1>, vector<16xi32>
        %lt3A_289 = arith.cmpf olt, %gather3A_253, %get3A_132 : vector<16xf32>
        %add3A_290 = arith.constant 16 : i32
        %add3A_291 = vector.broadcast %add3A_290 : i32 to vector<16xi32>
        %add3A_292 = arith.addi %select_n3A_213, %add3A_291 : vector<16xi32>
        %select_n3A_293 = arith.select %lt3A_289, %add3A_292, %select_n3A_213 : vector<16xi1>, vector<16xi32>
        %lt3A_294 = arith.cmpf olt, %gather3A_258, %get3A_135 : vector<16xf32>
        %add3A_295 = arith.constant 16 : i32
        %add3A_296 = vector.broadcast %add3A_295 : i32 to vector<16xi32>
        %add3A_297 = arith.addi %select_n3A_218, %add3A_296 : vector<16xi32>
        %select_n3A_298 = arith.select %lt3A_294, %add3A_297, %select_n3A_218 : vector<16xi1>, vector<16xi32>
        %lt3A_299 = arith.cmpf olt, %gather3A_263, %get3A_138 : vector<16xf32>
        %add3A_300 = arith.constant 16 : i32
        %add3A_301 = vector.broadcast %add3A_300 : i32 to vector<16xi32>
        %add3A_302 = arith.addi %select_n3A_223, %add3A_301 : vector<16xi32>
        %select_n3A_303 = arith.select %lt3A_299, %add3A_302, %select_n3A_223 : vector<16xi1>, vector<16xi32>
        %lt3A_304 = arith.cmpf olt, %gather3A_268, %get3A_141 : vector<16xf32>
        %add3A_305 = arith.constant 16 : i32
        %add3A_306 = vector.broadcast %add3A_305 : i32 to vector<16xi32>
        %add3A_307 = arith.addi %select_n3A_228, %add3A_306 : vector<16xi32>
        %select_n3A_308 = arith.select %lt3A_304, %add3A_307, %select_n3A_228 : vector<16xi1>, vector<16xi32>
        %lt3A_309 = arith.cmpf olt, %gather3A_273, %get3A_144 : vector<16xf32>
        %add3A_310 = arith.constant 16 : i32
        %add3A_311 = vector.broadcast %add3A_310 : i32 to vector<16xi32>
        %add3A_312 = arith.addi %select_n3A_233, %add3A_311 : vector<16xi32>
        %select_n3A_313 = arith.select %lt3A_309, %add3A_312, %select_n3A_233 : vector<16xi1>, vector<16xi32>
        %lt3A_314 = arith.cmpf olt, %gather3A_278, %get3A_147 : vector<16xf32>
        %add3A_315 = arith.constant 16 : i32
        %add3A_316 = vector.broadcast %add3A_315 : i32 to vector<16xi32>
        %add3A_317 = arith.addi %select_n3A_238, %add3A_316 : vector<16xi32>
        %select_n3A_318 = arith.select %lt3A_314, %add3A_317, %select_n3A_238 : vector<16xi1>, vector<16xi32>
        %lt3A_319 = arith.cmpf olt, %gather3A_283, %get3A_150 : vector<16xf32>
        %add3A_320 = arith.constant 16 : i32
        %add3A_321 = vector.broadcast %add3A_320 : i32 to vector<16xi32>
        %add3A_322 = arith.addi %select_n3A_243, %add3A_321 : vector<16xi32>
        %select_n3A_323 = arith.select %lt3A_319, %add3A_322, %select_n3A_243 : vector<16xi1>, vector<16xi32>
        %add3A_324 = arith.constant 7 : i32
        %add3A_325 = vector.broadcast %add3A_324 : i32 to vector<16xi32>
        %add3A_326 = arith.addi %select_n3A_288, %add3A_325 : vector<16xi32>
        %add3A_327 = arith.addi %mul3A_12, %add3A_326 : vector<16xi32>
        %gather3A_328 = tpu.vector_load_idx %arg6[%add3A_327] : memref<8192xf32, #tpu.memory_space<vmem>>[vector<16xi32>], vector<16xf32>,
        %add3A_329 = arith.constant 7 : i32
        %add3A_330 = vector.broadcast %add3A_329 : i32 to vector<16xi32>
        %add3A_331 = arith.addi %select_n3A_293, %add3A_330 : vector<16xi32>
        %add3A_332 = arith.addi %mul3A_18, %add3A_331 : vector<16xi32>
        %gather3A_333 = tpu.vector_load_idx %arg6[%add3A_332] : memref<8192xf32, #tpu.memory_space<vmem>>[vector<16xi32>], vector<16xf32>,
        %add3A_334 = arith.constant 7 : i32
        %add3A_335 = vector.broadcast %add3A_334 : i32 to vector<16xi32>
        %add3A_336 = arith.addi %select_n3A_298, %add3A_335 : vector<16xi32>
        %add3A_337 = arith.addi %mul3A_24, %add3A_336 : vector<16xi32>
        %gather3A_338 = tpu.vector_load_idx %arg6[%add3A_337] : memref<8192xf32, #tpu.memory_space<vmem>>[vector<16xi32>], vector<16xf32>,
        %add3A_339 = arith.constant 7 : i32
        %add3A_340 = vector.broadcast %add3A_339 : i32 to vector<16xi32>
        %add3A_341 = arith.addi %select_n3A_303, %add3A_340 : vector<16xi32>
        %add3A_342 = arith.addi %mul3A_30, %add3A_341 : vector<16xi32>
        %gather3A_343 = tpu.vector_load_idx %arg6[%add3A_342] : memref<8192xf32, #tpu.memory_space<vmem>>[vector<16xi32>], vector<16xf32>,
        %add3A_344 = arith.constant 7 : i32
        %add3A_345 = vector.broadcast %add3A_344 : i32 to vector<16xi32>
        %add3A_346 = arith.addi %select_n3A_308, %add3A_345 : vector<16xi32>
        %add3A_347 = arith.addi %mul3A_36, %add3A_346 : vector<16xi32>
        %gather3A_348 = tpu.vector_load_idx %arg6[%add3A_347] : memref<8192xf32, #tpu.memory_space<vmem>>[vector<16xi32>], vector<16xf32>,
        %add3A_349 = arith.constant 7 : i32
        %add3A_350 = vector.broadcast %add3A_349 : i32 to vector<16xi32>
        %add3A_351 = arith.addi %select_n3A_313, %add3A_350 : vector<16xi32>
        %add3A_352 = arith.addi %mul3A_42, %add3A_351 : vector<16xi32>
        %gather3A_353 = tpu.vector_load_idx %arg6[%add3A_352] : memref<8192xf32, #tpu.memory_space<vmem>>[vector<16xi32>], vector<16xf32>,
        %add3A_354 = arith.constant 7 : i32
        %add3A_355 = vector.broadcast %add3A_354 : i32 to vector<16xi32>
        %add3A_356 = arith.addi %select_n3A_318, %add3A_355 : vector<16xi32>
        %add3A_357 = arith.addi %mul3A_48, %add3A_356 : vector<16xi32>
        %gather3A_358 = tpu.vector_load_idx %arg6[%add3A_357] : memref<8192xf32, #tpu.memory_space<vmem>>[vector<16xi32>], vector<16xf32>,
        %add3A_359 = arith.constant 7 : i32
        %add3A_360 = vector.broadcast %add3A_359 : i32 to vector<16xi32>
        %add3A_361 = arith.addi %select_n3A_323, %add3A_360 : vector<16xi32>
        %add3A_362 = arith.addi %mul3A_54, %add3A_361 : vector<16xi32>
        %gather3A_363 = tpu.vector_load_idx %arg6[%add3A_362] : memref<8192xf32, #tpu.memory_space<vmem>>[vector<16xi32>], vector<16xf32>,
        %lt3A_364 = arith.cmpf olt, %gather3A_328, %get3A_129 : vector<16xf32>
        %add3A_365 = arith.constant 8 : i32
        %add3A_366 = vector.broadcast %add3A_365 : i32 to vector<16xi32>
        %add3A_367 = arith.addi %select_n3A_288, %add3A_366 : vector<16xi32>
        %select_n3A_368 = arith.select %lt3A_364, %add3A_367, %select_n3A_288 : vector<16xi1>, vector<16xi32>
        %lt3A_369 = arith.cmpf olt, %gather3A_333, %get3A_132 : vector<16xf32>
        %add3A_370 = arith.constant 8 : i32
        %add3A_371 = vector.broadcast %add3A_370 : i32 to vector<16xi32>
        %add3A_372 = arith.addi %select_n3A_293, %add3A_371 : vector<16xi32>
        %select_n3A_373 = arith.select %lt3A_369, %add3A_372, %select_n3A_293 : vector<16xi1>, vector<16xi32>
        %lt3A_374 = arith.cmpf olt, %gather3A_338, %get3A_135 : vector<16xf32>
        %add3A_375 = arith.constant 8 : i32
        %add3A_376 = vector.broadcast %add3A_375 : i32 to vector<16xi32>
        %add3A_377 = arith.addi %select_n3A_298, %add3A_376 : vector<16xi32>
        %select_n3A_378 = arith.select %lt3A_374, %add3A_377, %select_n3A_298 : vector<16xi1>, vector<16xi32>
        %lt3A_379 = arith.cmpf olt, %gather3A_343, %get3A_138 : vector<16xf32>
        %add3A_380 = arith.constant 8 : i32
        %add3A_381 = vector.broadcast %add3A_380 : i32 to vector<16xi32>
        %add3A_382 = arith.addi %select_n3A_303, %add3A_381 : vector<16xi32>
        %select_n3A_383 = arith.select %lt3A_379, %add3A_382, %select_n3A_303 : vector<16xi1>, vector<16xi32>
        %lt3A_384 = arith.cmpf olt, %gather3A_348, %get3A_141 : vector<16xf32>
        %add3A_385 = arith.constant 8 : i32
        %add3A_386 = vector.broadcast %add3A_385 : i32 to vector<16xi32>
        %add3A_387 = arith.addi %select_n3A_308, %add3A_386 : vector<16xi32>
        %select_n3A_388 = arith.select %lt3A_384, %add3A_387, %select_n3A_308 : vector<16xi1>, vector<16xi32>
        %lt3A_389 = arith.cmpf olt, %gather3A_353, %get3A_144 : vector<16xf32>
        %add3A_390 = arith.constant 8 : i32
        %add3A_391 = vector.broadcast %add3A_390 : i32 to vector<16xi32>
        %add3A_392 = arith.addi %select_n3A_313, %add3A_391 : vector<16xi32>
        %select_n3A_393 = arith.select %lt3A_389, %add3A_392, %select_n3A_313 : vector<16xi1>, vector<16xi32>
        %lt3A_394 = arith.cmpf olt, %gather3A_358, %get3A_147 : vector<16xf32>
        %add3A_395 = arith.constant 8 : i32
        %add3A_396 = vector.broadcast %add3A_395 : i32 to vector<16xi32>
        %add3A_397 = arith.addi %select_n3A_318, %add3A_396 : vector<16xi32>
        %select_n3A_398 = arith.select %lt3A_394, %add3A_397, %select_n3A_318 : vector<16xi1>, vector<16xi32>
        %lt3A_399 = arith.cmpf olt, %gather3A_363, %get3A_150 : vector<16xf32>
        %add3A_400 = arith.constant 8 : i32
        %add3A_401 = vector.broadcast %add3A_400 : i32 to vector<16xi32>
        %add3A_402 = arith.addi %select_n3A_323, %add3A_401 : vector<16xi32>
        %select_n3A_403 = arith.select %lt3A_399, %add3A_402, %select_n3A_323 : vector<16xi1>, vector<16xi32>
        %add3A_404 = arith.constant 3 : i32
        %add3A_405 = vector.broadcast %add3A_404 : i32 to vector<16xi32>
        %add3A_406 = arith.addi %select_n3A_368, %add3A_405 : vector<16xi32>
        %add3A_407 = arith.addi %mul3A_12, %add3A_406 : vector<16xi32>
        %gather3A_408 = tpu.vector_load_idx %arg6[%add3A_407] : memref<8192xf32, #tpu.memory_space<vmem>>[vector<16xi32>], vector<16xf32>,
        %add3A_409 = arith.constant 3 : i32
        %add3A_410 = vector.broadcast %add3A_409 : i32 to vector<16xi32>
        %add3A_411 = arith.addi %select_n3A_373, %add3A_410 : vector<16xi32>
        %add3A_412 = arith.addi %mul3A_18, %add3A_411 : vector<16xi32>
        %gather3A_413 = tpu.vector_load_idx %arg6[%add3A_412] : memref<8192xf32, #tpu.memory_space<vmem>>[vector<16xi32>], vector<16xf32>,
        %add3A_414 = arith.constant 3 : i32
        %add3A_415 = vector.broadcast %add3A_414 : i32 to vector<16xi32>
        %add3A_416 = arith.addi %select_n3A_378, %add3A_415 : vector<16xi32>
        %add3A_417 = arith.addi %mul3A_24, %add3A_416 : vector<16xi32>
        %gather3A_418 = tpu.vector_load_idx %arg6[%add3A_417] : memref<8192xf32, #tpu.memory_space<vmem>>[vector<16xi32>], vector<16xf32>,
        %add3A_419 = arith.constant 3 : i32
        %add3A_420 = vector.broadcast %add3A_419 : i32 to vector<16xi32>
        %add3A_421 = arith.addi %select_n3A_383, %add3A_420 : vector<16xi32>
        %add3A_422 = arith.addi %mul3A_30, %add3A_421 : vector<16xi32>
        %gather3A_423 = tpu.vector_load_idx %arg6[%add3A_422] : memref<8192xf32, #tpu.memory_space<vmem>>[vector<16xi32>], vector<16xf32>,
        %add3A_424 = arith.constant 3 : i32
        %add3A_425 = vector.broadcast %add3A_424 : i32 to vector<16xi32>
        %add3A_426 = arith.addi %select_n3A_388, %add3A_425 : vector<16xi32>
        %add3A_427 = arith.addi %mul3A_36, %add3A_426 : vector<16xi32>
        %gather3A_428 = tpu.vector_load_idx %arg6[%add3A_427] : memref<8192xf32, #tpu.memory_space<vmem>>[vector<16xi32>], vector<16xf32>,
        %add3A_429 = arith.constant 3 : i32
        %add3A_430 = vector.broadcast %add3A_429 : i32 to vector<16xi32>
        %add3A_431 = arith.addi %select_n3A_393, %add3A_430 : vector<16xi32>
        %add3A_432 = arith.addi %mul3A_42, %add3A_431 : vector<16xi32>
        %gather3A_433 = tpu.vector_load_idx %arg6[%add3A_432] : memref<8192xf32, #tpu.memory_space<vmem>>[vector<16xi32>], vector<16xf32>,
        %add3A_434 = arith.constant 3 : i32
        %add3A_435 = vector.broadcast %add3A_434 : i32 to vector<16xi32>
        %add3A_436 = arith.addi %select_n3A_398, %add3A_435 : vector<16xi32>
        %add3A_437 = arith.addi %mul3A_48, %add3A_436 : vector<16xi32>
        %gather3A_438 = tpu.vector_load_idx %arg6[%add3A_437] : memref<8192xf32, #tpu.memory_space<vmem>>[vector<16xi32>], vector<16xf32>,
        %add3A_439 = arith.constant 3 : i32
        %add3A_440 = vector.broadcast %add3A_439 : i32 to vector<16xi32>
        %add3A_441 = arith.addi %select_n3A_403, %add3A_440 : vector<16xi32>
        %add3A_442 = arith.addi %mul3A_54, %add3A_441 : vector<16xi32>
        %gather3A_443 = tpu.vector_load_idx %arg6[%add3A_442] : memref<8192xf32, #tpu.memory_space<vmem>>[vector<16xi32>], vector<16xf32>,
        %lt3A_444 = arith.cmpf olt, %gather3A_408, %get3A_129 : vector<16xf32>
        %add3A_445 = arith.constant 4 : i32
        %add3A_446 = vector.broadcast %add3A_445 : i32 to vector<16xi32>
        %add3A_447 = arith.addi %select_n3A_368, %add3A_446 : vector<16xi32>
        %select_n3A_448 = arith.select %lt3A_444, %add3A_447, %select_n3A_368 : vector<16xi1>, vector<16xi32>
        %lt3A_449 = arith.cmpf olt, %gather3A_413, %get3A_132 : vector<16xf32>
        %add3A_450 = arith.constant 4 : i32
        %add3A_451 = vector.broadcast %add3A_450 : i32 to vector<16xi32>
        %add3A_452 = arith.addi %select_n3A_373, %add3A_451 : vector<16xi32>
        %select_n3A_453 = arith.select %lt3A_449, %add3A_452, %select_n3A_373 : vector<16xi1>, vector<16xi32>
        %lt3A_454 = arith.cmpf olt, %gather3A_418, %get3A_135 : vector<16xf32>
        %add3A_455 = arith.constant 4 : i32
        %add3A_456 = vector.broadcast %add3A_455 : i32 to vector<16xi32>
        %add3A_457 = arith.addi %select_n3A_378, %add3A_456 : vector<16xi32>
        %select_n3A_458 = arith.select %lt3A_454, %add3A_457, %select_n3A_378 : vector<16xi1>, vector<16xi32>
        %lt3A_459 = arith.cmpf olt, %gather3A_423, %get3A_138 : vector<16xf32>
        %add3A_460 = arith.constant 4 : i32
        %add3A_461 = vector.broadcast %add3A_460 : i32 to vector<16xi32>
        %add3A_462 = arith.addi %select_n3A_383, %add3A_461 : vector<16xi32>
        %select_n3A_463 = arith.select %lt3A_459, %add3A_462, %select_n3A_383 : vector<16xi1>, vector<16xi32>
        %lt3A_464 = arith.cmpf olt, %gather3A_428, %get3A_141 : vector<16xf32>
        %add3A_465 = arith.constant 4 : i32
        %add3A_466 = vector.broadcast %add3A_465 : i32 to vector<16xi32>
        %add3A_467 = arith.addi %select_n3A_388, %add3A_466 : vector<16xi32>
        %select_n3A_468 = arith.select %lt3A_464, %add3A_467, %select_n3A_388 : vector<16xi1>, vector<16xi32>
        %lt3A_469 = arith.cmpf olt, %gather3A_433, %get3A_144 : vector<16xf32>
        %add3A_470 = arith.constant 4 : i32
        %add3A_471 = vector.broadcast %add3A_470 : i32 to vector<16xi32>
        %add3A_472 = arith.addi %select_n3A_393, %add3A_471 : vector<16xi32>
        %select_n3A_473 = arith.select %lt3A_469, %add3A_472, %select_n3A_393 : vector<16xi1>, vector<16xi32>
        %lt3A_474 = arith.cmpf olt, %gather3A_438, %get3A_147 : vector<16xf32>
        %add3A_475 = arith.constant 4 : i32
        %add3A_476 = vector.broadcast %add3A_475 : i32 to vector<16xi32>
        %add3A_477 = arith.addi %select_n3A_398, %add3A_476 : vector<16xi32>
        %select_n3A_478 = arith.select %lt3A_474, %add3A_477, %select_n3A_398 : vector<16xi1>, vector<16xi32>
        %lt3A_479 = arith.cmpf olt, %gather3A_443, %get3A_150 : vector<16xf32>
        %add3A_480 = arith.constant 4 : i32
        %add3A_481 = vector.broadcast %add3A_480 : i32 to vector<16xi32>
        %add3A_482 = arith.addi %select_n3A_403, %add3A_481 : vector<16xi32>
        %select_n3A_483 = arith.select %lt3A_479, %add3A_482, %select_n3A_403 : vector<16xi1>, vector<16xi32>
        %add3A_484 = arith.constant 1 : i32
        %add3A_485 = vector.broadcast %add3A_484 : i32 to vector<16xi32>
        %add3A_486 = arith.addi %select_n3A_448, %add3A_485 : vector<16xi32>
        %add3A_487 = arith.addi %mul3A_12, %add3A_486 : vector<16xi32>
        %gather3A_488 = tpu.vector_load_idx %arg6[%add3A_487] : memref<8192xf32, #tpu.memory_space<vmem>>[vector<16xi32>], vector<16xf32>,
        %add3A_489 = arith.constant 1 : i32
        %add3A_490 = vector.broadcast %add3A_489 : i32 to vector<16xi32>
        %add3A_491 = arith.addi %select_n3A_453, %add3A_490 : vector<16xi32>
        %add3A_492 = arith.addi %mul3A_18, %add3A_491 : vector<16xi32>
        %gather3A_493 = tpu.vector_load_idx %arg6[%add3A_492] : memref<8192xf32, #tpu.memory_space<vmem>>[vector<16xi32>], vector<16xf32>,
        %add3A_494 = arith.constant 1 : i32
        %add3A_495 = vector.broadcast %add3A_494 : i32 to vector<16xi32>
        %add3A_496 = arith.addi %select_n3A_458, %add3A_495 : vector<16xi32>
        %add3A_497 = arith.addi %mul3A_24, %add3A_496 : vector<16xi32>
        %gather3A_498 = tpu.vector_load_idx %arg6[%add3A_497] : memref<8192xf32, #tpu.memory_space<vmem>>[vector<16xi32>], vector<16xf32>,
        %add3A_499 = arith.constant 1 : i32
        %add3A_500 = vector.broadcast %add3A_499 : i32 to vector<16xi32>
        %add3A_501 = arith.addi %select_n3A_463, %add3A_500 : vector<16xi32>
        %add3A_502 = arith.addi %mul3A_30, %add3A_501 : vector<16xi32>
        %gather3A_503 = tpu.vector_load_idx %arg6[%add3A_502] : memref<8192xf32, #tpu.memory_space<vmem>>[vector<16xi32>], vector<16xf32>,
        %add3A_504 = arith.constant 1 : i32
        %add3A_505 = vector.broadcast %add3A_504 : i32 to vector<16xi32>
        %add3A_506 = arith.addi %select_n3A_468, %add3A_505 : vector<16xi32>
        %add3A_507 = arith.addi %mul3A_36, %add3A_506 : vector<16xi32>
        %gather3A_508 = tpu.vector_load_idx %arg6[%add3A_507] : memref<8192xf32, #tpu.memory_space<vmem>>[vector<16xi32>], vector<16xf32>,
        %add3A_509 = arith.constant 1 : i32
        %add3A_510 = vector.broadcast %add3A_509 : i32 to vector<16xi32>
        %add3A_511 = arith.addi %select_n3A_473, %add3A_510 : vector<16xi32>
        %add3A_512 = arith.addi %mul3A_42, %add3A_511 : vector<16xi32>
        %gather3A_513 = tpu.vector_load_idx %arg6[%add3A_512] : memref<8192xf32, #tpu.memory_space<vmem>>[vector<16xi32>], vector<16xf32>,
        %add3A_514 = arith.constant 1 : i32
        %add3A_515 = vector.broadcast %add3A_514 : i32 to vector<16xi32>
        %add3A_516 = arith.addi %select_n3A_478, %add3A_515 : vector<16xi32>
        %add3A_517 = arith.addi %mul3A_48, %add3A_516 : vector<16xi32>
        %gather3A_518 = tpu.vector_load_idx %arg6[%add3A_517] : memref<8192xf32, #tpu.memory_space<vmem>>[vector<16xi32>], vector<16xf32>,
        %add3A_519 = arith.constant 1 : i32
        %add3A_520 = vector.broadcast %add3A_519 : i32 to vector<16xi32>
        %add3A_521 = arith.addi %select_n3A_483, %add3A_520 : vector<16xi32>
        %add3A_522 = arith.addi %mul3A_54, %add3A_521 : vector<16xi32>
        %gather3A_523 = tpu.vector_load_idx %arg6[%add3A_522] : memref<8192xf32, #tpu.memory_space<vmem>>[vector<16xi32>], vector<16xf32>,
        %lt3A_524 = arith.cmpf olt, %gather3A_488, %get3A_129 : vector<16xf32>
        %add3A_525 = arith.constant 2 : i32
        %add3A_526 = vector.broadcast %add3A_525 : i32 to vector<16xi32>
        %add3A_527 = arith.addi %select_n3A_448, %add3A_526 : vector<16xi32>
        %select_n3A_528 = arith.select %lt3A_524, %add3A_527, %select_n3A_448 : vector<16xi1>, vector<16xi32>
        %lt3A_529 = arith.cmpf olt, %gather3A_493, %get3A_132 : vector<16xf32>
        %add3A_530 = arith.constant 2 : i32
        %add3A_531 = vector.broadcast %add3A_530 : i32 to vector<16xi32>
        %add3A_532 = arith.addi %select_n3A_453, %add3A_531 : vector<16xi32>
        %select_n3A_533 = arith.select %lt3A_529, %add3A_532, %select_n3A_453 : vector<16xi1>, vector<16xi32>
        %lt3A_534 = arith.cmpf olt, %gather3A_498, %get3A_135 : vector<16xf32>
        %add3A_535 = arith.constant 2 : i32
        %add3A_536 = vector.broadcast %add3A_535 : i32 to vector<16xi32>
        %add3A_537 = arith.addi %select_n3A_458, %add3A_536 : vector<16xi32>
        %select_n3A_538 = arith.select %lt3A_534, %add3A_537, %select_n3A_458 : vector<16xi1>, vector<16xi32>
        %lt3A_539 = arith.cmpf olt, %gather3A_503, %get3A_138 : vector<16xf32>
        %add3A_540 = arith.constant 2 : i32
        %add3A_541 = vector.broadcast %add3A_540 : i32 to vector<16xi32>
        %add3A_542 = arith.addi %select_n3A_463, %add3A_541 : vector<16xi32>
        %select_n3A_543 = arith.select %lt3A_539, %add3A_542, %select_n3A_463 : vector<16xi1>, vector<16xi32>
        %lt3A_544 = arith.cmpf olt, %gather3A_508, %get3A_141 : vector<16xf32>
        %add3A_545 = arith.constant 2 : i32
        %add3A_546 = vector.broadcast %add3A_545 : i32 to vector<16xi32>
        %add3A_547 = arith.addi %select_n3A_468, %add3A_546 : vector<16xi32>
        %select_n3A_548 = arith.select %lt3A_544, %add3A_547, %select_n3A_468 : vector<16xi1>, vector<16xi32>
        %lt3A_549 = arith.cmpf olt, %gather3A_513, %get3A_144 : vector<16xf32>
        %add3A_550 = arith.constant 2 : i32
        %add3A_551 = vector.broadcast %add3A_550 : i32 to vector<16xi32>
        %add3A_552 = arith.addi %select_n3A_473, %add3A_551 : vector<16xi32>
        %select_n3A_553 = arith.select %lt3A_549, %add3A_552, %select_n3A_473 : vector<16xi1>, vector<16xi32>
        %lt3A_554 = arith.cmpf olt, %gather3A_518, %get3A_147 : vector<16xf32>
        %add3A_555 = arith.constant 2 : i32
        %add3A_556 = vector.broadcast %add3A_555 : i32 to vector<16xi32>
        %add3A_557 = arith.addi %select_n3A_478, %add3A_556 : vector<16xi32>
        %select_n3A_558 = arith.select %lt3A_554, %add3A_557, %select_n3A_478 : vector<16xi1>, vector<16xi32>
        %lt3A_559 = arith.cmpf olt, %gather3A_523, %get3A_150 : vector<16xf32>
        %add3A_560 = arith.constant 2 : i32
        %add3A_561 = vector.broadcast %add3A_560 : i32 to vector<16xi32>
        %add3A_562 = arith.addi %select_n3A_483, %add3A_561 : vector<16xi32>
        %select_n3A_563 = arith.select %lt3A_559, %add3A_562, %select_n3A_483 : vector<16xi1>, vector<16xi32>
        %add3A_564 = arith.constant 0 : i32
        %add3A_565 = vector.broadcast %add3A_564 : i32 to vector<16xi32>
        %add3A_566 = arith.addi %select_n3A_528, %add3A_565 : vector<16xi32>
        %add3A_567 = arith.addi %mul3A_12, %add3A_566 : vector<16xi32>
        %gather3A_568 = tpu.vector_load_idx %arg6[%add3A_567] : memref<8192xf32, #tpu.memory_space<vmem>>[vector<16xi32>], vector<16xf32>,
        %add3A_569 = arith.constant 0 : i32
        %add3A_570 = vector.broadcast %add3A_569 : i32 to vector<16xi32>
        %add3A_571 = arith.addi %select_n3A_533, %add3A_570 : vector<16xi32>
        %add3A_572 = arith.addi %mul3A_18, %add3A_571 : vector<16xi32>
        %gather3A_573 = tpu.vector_load_idx %arg6[%add3A_572] : memref<8192xf32, #tpu.memory_space<vmem>>[vector<16xi32>], vector<16xf32>,
        %add3A_574 = arith.constant 0 : i32
        %add3A_575 = vector.broadcast %add3A_574 : i32 to vector<16xi32>
        %add3A_576 = arith.addi %select_n3A_538, %add3A_575 : vector<16xi32>
        %add3A_577 = arith.addi %mul3A_24, %add3A_576 : vector<16xi32>
        %gather3A_578 = tpu.vector_load_idx %arg6[%add3A_577] : memref<8192xf32, #tpu.memory_space<vmem>>[vector<16xi32>], vector<16xf32>,
        %add3A_579 = arith.constant 0 : i32
        %add3A_580 = vector.broadcast %add3A_579 : i32 to vector<16xi32>
        %add3A_581 = arith.addi %select_n3A_543, %add3A_580 : vector<16xi32>
        %add3A_582 = arith.addi %mul3A_30, %add3A_581 : vector<16xi32>
        %gather3A_583 = tpu.vector_load_idx %arg6[%add3A_582] : memref<8192xf32, #tpu.memory_space<vmem>>[vector<16xi32>], vector<16xf32>,
        %add3A_584 = arith.constant 0 : i32
        %add3A_585 = vector.broadcast %add3A_584 : i32 to vector<16xi32>
        %add3A_586 = arith.addi %select_n3A_548, %add3A_585 : vector<16xi32>
        %add3A_587 = arith.addi %mul3A_36, %add3A_586 : vector<16xi32>
        %gather3A_588 = tpu.vector_load_idx %arg6[%add3A_587] : memref<8192xf32, #tpu.memory_space<vmem>>[vector<16xi32>], vector<16xf32>,
        %add3A_589 = arith.constant 0 : i32
        %add3A_590 = vector.broadcast %add3A_589 : i32 to vector<16xi32>
        %add3A_591 = arith.addi %select_n3A_553, %add3A_590 : vector<16xi32>
        %add3A_592 = arith.addi %mul3A_42, %add3A_591 : vector<16xi32>
        %gather3A_593 = tpu.vector_load_idx %arg6[%add3A_592] : memref<8192xf32, #tpu.memory_space<vmem>>[vector<16xi32>], vector<16xf32>,
        %add3A_594 = arith.constant 0 : i32
        %add3A_595 = vector.broadcast %add3A_594 : i32 to vector<16xi32>
        %add3A_596 = arith.addi %select_n3A_558, %add3A_595 : vector<16xi32>
        %add3A_597 = arith.addi %mul3A_48, %add3A_596 : vector<16xi32>
        %gather3A_598 = tpu.vector_load_idx %arg6[%add3A_597] : memref<8192xf32, #tpu.memory_space<vmem>>[vector<16xi32>], vector<16xf32>,
        %add3A_599 = arith.constant 0 : i32
        %add3A_600 = vector.broadcast %add3A_599 : i32 to vector<16xi32>
        %add3A_601 = arith.addi %select_n3A_563, %add3A_600 : vector<16xi32>
        %add3A_602 = arith.addi %mul3A_54, %add3A_601 : vector<16xi32>
        %gather3A_603 = tpu.vector_load_idx %arg6[%add3A_602] : memref<8192xf32, #tpu.memory_space<vmem>>[vector<16xi32>], vector<16xf32>,
        %lt3A_604 = arith.cmpf olt, %gather3A_568, %get3A_129 : vector<16xf32>
        %add3A_605 = arith.constant 1 : i32
        %add3A_606 = vector.broadcast %add3A_605 : i32 to vector<16xi32>
        %add3A_607 = arith.addi %select_n3A_528, %add3A_606 : vector<16xi32>
        %select_n3A_608 = arith.select %lt3A_604, %add3A_607, %select_n3A_528 : vector<16xi1>, vector<16xi32>
        %lt3A_609 = arith.cmpf olt, %gather3A_573, %get3A_132 : vector<16xf32>
        %add3A_610 = arith.constant 1 : i32
        %add3A_611 = vector.broadcast %add3A_610 : i32 to vector<16xi32>
        %add3A_612 = arith.addi %select_n3A_533, %add3A_611 : vector<16xi32>
        %select_n3A_613 = arith.select %lt3A_609, %add3A_612, %select_n3A_533 : vector<16xi1>, vector<16xi32>
        %lt3A_614 = arith.cmpf olt, %gather3A_578, %get3A_135 : vector<16xf32>
        %add3A_615 = arith.constant 1 : i32
        %add3A_616 = vector.broadcast %add3A_615 : i32 to vector<16xi32>
        %add3A_617 = arith.addi %select_n3A_538, %add3A_616 : vector<16xi32>
        %select_n3A_618 = arith.select %lt3A_614, %add3A_617, %select_n3A_538 : vector<16xi1>, vector<16xi32>
        %lt3A_619 = arith.cmpf olt, %gather3A_583, %get3A_138 : vector<16xf32>
        %add3A_620 = arith.constant 1 : i32
        %add3A_621 = vector.broadcast %add3A_620 : i32 to vector<16xi32>
        %add3A_622 = arith.addi %select_n3A_543, %add3A_621 : vector<16xi32>
        %select_n3A_623 = arith.select %lt3A_619, %add3A_622, %select_n3A_543 : vector<16xi1>, vector<16xi32>
        %lt3A_624 = arith.cmpf olt, %gather3A_588, %get3A_141 : vector<16xf32>
        %add3A_625 = arith.constant 1 : i32
        %add3A_626 = vector.broadcast %add3A_625 : i32 to vector<16xi32>
        %add3A_627 = arith.addi %select_n3A_548, %add3A_626 : vector<16xi32>
        %select_n3A_628 = arith.select %lt3A_624, %add3A_627, %select_n3A_548 : vector<16xi1>, vector<16xi32>
        %lt3A_629 = arith.cmpf olt, %gather3A_593, %get3A_144 : vector<16xf32>
        %add3A_630 = arith.constant 1 : i32
        %add3A_631 = vector.broadcast %add3A_630 : i32 to vector<16xi32>
        %add3A_632 = arith.addi %select_n3A_553, %add3A_631 : vector<16xi32>
        %select_n3A_633 = arith.select %lt3A_629, %add3A_632, %select_n3A_553 : vector<16xi1>, vector<16xi32>
        %lt3A_634 = arith.cmpf olt, %gather3A_598, %get3A_147 : vector<16xf32>
        %add3A_635 = arith.constant 1 : i32
        %add3A_636 = vector.broadcast %add3A_635 : i32 to vector<16xi32>
        %add3A_637 = arith.addi %select_n3A_558, %add3A_636 : vector<16xi32>
        %select_n3A_638 = arith.select %lt3A_634, %add3A_637, %select_n3A_558 : vector<16xi1>, vector<16xi32>
        %lt3A_639 = arith.cmpf olt, %gather3A_603, %get3A_150 : vector<16xf32>
        %add3A_640 = arith.constant 1 : i32
        %add3A_641 = vector.broadcast %add3A_640 : i32 to vector<16xi32>
        %add3A_642 = arith.addi %select_n3A_563, %add3A_641 : vector<16xi32>
        %select_n3A_643 = arith.select %lt3A_639, %add3A_642, %select_n3A_563 : vector<16xi1>, vector<16xi32>
        %sub3A = arith.constant 1 : i32
        %sub3A_644 = vector.broadcast %sub3A : i32 to vector<16xi32>
        %sub3A_645 = arith.subi %select_n3A_608, %sub3A_644 : vector<16xi32>
        %max3A = arith.constant 0 : i32
        %max3A_646 = vector.broadcast %max3A : i32 to vector<16xi32>
        %max3A_647 = arith.maxsi %sub3A_645, %max3A_646 : vector<16xi32>
        %add3A_648 = arith.addi %mul3A_12, %max3A_647 : vector<16xi32>
        %sub3A_649 = arith.constant 1 : i32
        %sub3A_650 = vector.broadcast %sub3A_649 : i32 to vector<16xi32>
        %sub3A_651 = arith.subi %select_n3A_613, %sub3A_650 : vector<16xi32>
        %max3A_652 = arith.constant 0 : i32
        %max3A_653 = vector.broadcast %max3A_652 : i32 to vector<16xi32>
        %max3A_654 = arith.maxsi %sub3A_651, %max3A_653 : vector<16xi32>
        %add3A_655 = arith.addi %mul3A_18, %max3A_654 : vector<16xi32>
        %sub3A_656 = arith.constant 1 : i32
        %sub3A_657 = vector.broadcast %sub3A_656 : i32 to vector<16xi32>
        %sub3A_658 = arith.subi %select_n3A_618, %sub3A_657 : vector<16xi32>
        %max3A_659 = arith.constant 0 : i32
        %max3A_660 = vector.broadcast %max3A_659 : i32 to vector<16xi32>
        %max3A_661 = arith.maxsi %sub3A_658, %max3A_660 : vector<16xi32>
        %add3A_662 = arith.addi %mul3A_24, %max3A_661 : vector<16xi32>
        %sub3A_663 = arith.constant 1 : i32
        %sub3A_664 = vector.broadcast %sub3A_663 : i32 to vector<16xi32>
        %sub3A_665 = arith.subi %select_n3A_623, %sub3A_664 : vector<16xi32>
        %max3A_666 = arith.constant 0 : i32
        %max3A_667 = vector.broadcast %max3A_666 : i32 to vector<16xi32>
        %max3A_668 = arith.maxsi %sub3A_665, %max3A_667 : vector<16xi32>
        %add3A_669 = arith.addi %mul3A_30, %max3A_668 : vector<16xi32>
        %sub3A_670 = arith.constant 1 : i32
        %sub3A_671 = vector.broadcast %sub3A_670 : i32 to vector<16xi32>
        %sub3A_672 = arith.subi %select_n3A_628, %sub3A_671 : vector<16xi32>
        %max3A_673 = arith.constant 0 : i32
        %max3A_674 = vector.broadcast %max3A_673 : i32 to vector<16xi32>
        %max3A_675 = arith.maxsi %sub3A_672, %max3A_674 : vector<16xi32>
        %add3A_676 = arith.addi %mul3A_36, %max3A_675 : vector<16xi32>
        %sub3A_677 = arith.constant 1 : i32
        %sub3A_678 = vector.broadcast %sub3A_677 : i32 to vector<16xi32>
        %sub3A_679 = arith.subi %select_n3A_633, %sub3A_678 : vector<16xi32>
        %max3A_680 = arith.constant 0 : i32
        %max3A_681 = vector.broadcast %max3A_680 : i32 to vector<16xi32>
        %max3A_682 = arith.maxsi %sub3A_679, %max3A_681 : vector<16xi32>
        %add3A_683 = arith.addi %mul3A_42, %max3A_682 : vector<16xi32>
        %sub3A_684 = arith.constant 1 : i32
        %sub3A_685 = vector.broadcast %sub3A_684 : i32 to vector<16xi32>
        %sub3A_686 = arith.subi %select_n3A_638, %sub3A_685 : vector<16xi32>
        %max3A_687 = arith.constant 0 : i32
        %max3A_688 = vector.broadcast %max3A_687 : i32 to vector<16xi32>
        %max3A_689 = arith.maxsi %sub3A_686, %max3A_688 : vector<16xi32>
        %add3A_690 = arith.addi %mul3A_48, %max3A_689 : vector<16xi32>
        %sub3A_691 = arith.constant 1 : i32
        %sub3A_692 = vector.broadcast %sub3A_691 : i32 to vector<16xi32>
        %sub3A_693 = arith.subi %select_n3A_643, %sub3A_692 : vector<16xi32>
        %max3A_694 = arith.constant 0 : i32
        %max3A_695 = vector.broadcast %max3A_694 : i32 to vector<16xi32>
        %max3A_696 = arith.maxsi %sub3A_693, %max3A_695 : vector<16xi32>
        %add3A_697 = arith.addi %mul3A_54, %max3A_696 : vector<16xi32>
        %gather3A_698 = tpu.vector_load_idx %arg6[%add3A_648] : memref<8192xf32, #tpu.memory_space<vmem>>[vector<16xi32>], vector<16xf32>,
        %gather3A_699 = tpu.vector_load_idx %arg6[%add3A_655] : memref<8192xf32, #tpu.memory_space<vmem>>[vector<16xi32>], vector<16xf32>,
        %gather3A_700 = tpu.vector_load_idx %arg6[%add3A_662] : memref<8192xf32, #tpu.memory_space<vmem>>[vector<16xi32>], vector<16xf32>,
        %gather3A_701 = tpu.vector_load_idx %arg6[%add3A_669] : memref<8192xf32, #tpu.memory_space<vmem>>[vector<16xi32>], vector<16xf32>,
        %gather3A_702 = tpu.vector_load_idx %arg6[%add3A_676] : memref<8192xf32, #tpu.memory_space<vmem>>[vector<16xi32>], vector<16xf32>,
        %gather3A_703 = tpu.vector_load_idx %arg6[%add3A_683] : memref<8192xf32, #tpu.memory_space<vmem>>[vector<16xi32>], vector<16xf32>,
        %gather3A_704 = tpu.vector_load_idx %arg6[%add3A_690] : memref<8192xf32, #tpu.memory_space<vmem>>[vector<16xi32>], vector<16xf32>,
        %gather3A_705 = tpu.vector_load_idx %arg6[%add3A_697] : memref<8192xf32, #tpu.memory_space<vmem>>[vector<16xi32>], vector<16xf32>,
        %add3A_706 = arith.constant 1 : i32
        %add3A_707 = vector.broadcast %add3A_706 : i32 to vector<16xi32>
        %add3A_708 = arith.addi %add3A_648, %add3A_707 : vector<16xi32>
        %gather3A_709 = tpu.vector_load_idx %arg6[%add3A_708] : memref<8192xf32, #tpu.memory_space<vmem>>[vector<16xi32>], vector<16xf32>,
        %add3A_710 = arith.constant 1 : i32
        %add3A_711 = vector.broadcast %add3A_710 : i32 to vector<16xi32>
        %add3A_712 = arith.addi %add3A_655, %add3A_711 : vector<16xi32>
        %gather3A_713 = tpu.vector_load_idx %arg6[%add3A_712] : memref<8192xf32, #tpu.memory_space<vmem>>[vector<16xi32>], vector<16xf32>,
        %add3A_714 = arith.constant 1 : i32
        %add3A_715 = vector.broadcast %add3A_714 : i32 to vector<16xi32>
        %add3A_716 = arith.addi %add3A_662, %add3A_715 : vector<16xi32>
        %gather3A_717 = tpu.vector_load_idx %arg6[%add3A_716] : memref<8192xf32, #tpu.memory_space<vmem>>[vector<16xi32>], vector<16xf32>,
        %add3A_718 = arith.constant 1 : i32
        %add3A_719 = vector.broadcast %add3A_718 : i32 to vector<16xi32>
        %add3A_720 = arith.addi %add3A_669, %add3A_719 : vector<16xi32>
        %gather3A_721 = tpu.vector_load_idx %arg6[%add3A_720] : memref<8192xf32, #tpu.memory_space<vmem>>[vector<16xi32>], vector<16xf32>,
        %add3A_722 = arith.constant 1 : i32
        %add3A_723 = vector.broadcast %add3A_722 : i32 to vector<16xi32>
        %add3A_724 = arith.addi %add3A_676, %add3A_723 : vector<16xi32>
        %gather3A_725 = tpu.vector_load_idx %arg6[%add3A_724] : memref<8192xf32, #tpu.memory_space<vmem>>[vector<16xi32>], vector<16xf32>,
        %add3A_726 = arith.constant 1 : i32
        %add3A_727 = vector.broadcast %add3A_726 : i32 to vector<16xi32>
        %add3A_728 = arith.addi %add3A_683, %add3A_727 : vector<16xi32>
        %gather3A_729 = tpu.vector_load_idx %arg6[%add3A_728] : memref<8192xf32, #tpu.memory_space<vmem>>[vector<16xi32>], vector<16xf32>,
        %add3A_730 = arith.constant 1 : i32
        %add3A_731 = vector.broadcast %add3A_730 : i32 to vector<16xi32>
        %add3A_732 = arith.addi %add3A_690, %add3A_731 : vector<16xi32>
        %gather3A_733 = tpu.vector_load_idx %arg6[%add3A_732] : memref<8192xf32, #tpu.memory_space<vmem>>[vector<16xi32>], vector<16xf32>,
        %add3A_734 = arith.constant 1 : i32
        %add3A_735 = vector.broadcast %add3A_734 : i32 to vector<16xi32>
        %add3A_736 = arith.addi %add3A_697, %add3A_735 : vector<16xi32>
        %gather3A_737 = tpu.vector_load_idx %arg6[%add3A_736] : memref<8192xf32, #tpu.memory_space<vmem>>[vector<16xi32>], vector<16xf32>,
        %gather3A_738 = tpu.vector_load_idx %arg7[%add3A_648] : memref<8192xf32, #tpu.memory_space<vmem>>[vector<16xi32>], vector<16xf32>,
        %gather3A_739 = tpu.vector_load_idx %arg7[%add3A_655] : memref<8192xf32, #tpu.memory_space<vmem>>[vector<16xi32>], vector<16xf32>,
        %gather3A_740 = tpu.vector_load_idx %arg7[%add3A_662] : memref<8192xf32, #tpu.memory_space<vmem>>[vector<16xi32>], vector<16xf32>,
        %gather3A_741 = tpu.vector_load_idx %arg7[%add3A_669] : memref<8192xf32, #tpu.memory_space<vmem>>[vector<16xi32>], vector<16xf32>,
        %gather3A_742 = tpu.vector_load_idx %arg7[%add3A_676] : memref<8192xf32, #tpu.memory_space<vmem>>[vector<16xi32>], vector<16xf32>,
        %gather3A_743 = tpu.vector_load_idx %arg7[%add3A_683] : memref<8192xf32, #tpu.memory_space<vmem>>[vector<16xi32>], vector<16xf32>,
        %gather3A_744 = tpu.vector_load_idx %arg7[%add3A_690] : memref<8192xf32, #tpu.memory_space<vmem>>[vector<16xi32>], vector<16xf32>,
        %gather3A_745 = tpu.vector_load_idx %arg7[%add3A_697] : memref<8192xf32, #tpu.memory_space<vmem>>[vector<16xi32>], vector<16xf32>,
        %add3A_746 = arith.constant 1 : i32
        %add3A_747 = vector.broadcast %add3A_746 : i32 to vector<16xi32>
        %add3A_748 = arith.addi %add3A_648, %add3A_747 : vector<16xi32>
        %gather3A_749 = tpu.vector_load_idx %arg7[%add3A_748] : memref<8192xf32, #tpu.memory_space<vmem>>[vector<16xi32>], vector<16xf32>,
        %add3A_750 = arith.constant 1 : i32
        %add3A_751 = vector.broadcast %add3A_750 : i32 to vector<16xi32>
        %add3A_752 = arith.addi %add3A_655, %add3A_751 : vector<16xi32>
        %gather3A_753 = tpu.vector_load_idx %arg7[%add3A_752] : memref<8192xf32, #tpu.memory_space<vmem>>[vector<16xi32>], vector<16xf32>,
        %add3A_754 = arith.constant 1 : i32
        %add3A_755 = vector.broadcast %add3A_754 : i32 to vector<16xi32>
        %add3A_756 = arith.addi %add3A_662, %add3A_755 : vector<16xi32>
        %gather3A_757 = tpu.vector_load_idx %arg7[%add3A_756] : memref<8192xf32, #tpu.memory_space<vmem>>[vector<16xi32>], vector<16xf32>,
        %add3A_758 = arith.constant 1 : i32
        %add3A_759 = vector.broadcast %add3A_758 : i32 to vector<16xi32>
        %add3A_760 = arith.addi %add3A_669, %add3A_759 : vector<16xi32>
        %gather3A_761 = tpu.vector_load_idx %arg7[%add3A_760] : memref<8192xf32, #tpu.memory_space<vmem>>[vector<16xi32>], vector<16xf32>,
        %add3A_762 = arith.constant 1 : i32
        %add3A_763 = vector.broadcast %add3A_762 : i32 to vector<16xi32>
        %add3A_764 = arith.addi %add3A_676, %add3A_763 : vector<16xi32>
        %gather3A_765 = tpu.vector_load_idx %arg7[%add3A_764] : memref<8192xf32, #tpu.memory_space<vmem>>[vector<16xi32>], vector<16xf32>,
        %add3A_766 = arith.constant 1 : i32
        %add3A_767 = vector.broadcast %add3A_766 : i32 to vector<16xi32>
        %add3A_768 = arith.addi %add3A_683, %add3A_767 : vector<16xi32>
        %gather3A_769 = tpu.vector_load_idx %arg7[%add3A_768] : memref<8192xf32, #tpu.memory_space<vmem>>[vector<16xi32>], vector<16xf32>,
        %add3A_770 = arith.constant 1 : i32
        %add3A_771 = vector.broadcast %add3A_770 : i32 to vector<16xi32>
        %add3A_772 = arith.addi %add3A_690, %add3A_771 : vector<16xi32>
        %gather3A_773 = tpu.vector_load_idx %arg7[%add3A_772] : memref<8192xf32, #tpu.memory_space<vmem>>[vector<16xi32>], vector<16xf32>,
        %add3A_774 = arith.constant 1 : i32
        %add3A_775 = vector.broadcast %add3A_774 : i32 to vector<16xi32>
        %add3A_776 = arith.addi %add3A_697, %add3A_775 : vector<16xi32>
        %gather3A_777 = tpu.vector_load_idx %arg7[%add3A_776] : memref<8192xf32, #tpu.memory_space<vmem>>[vector<16xi32>], vector<16xf32>,
        %sub3A_778 = arith.subf %get3A_129, %gather3A_698 : vector<16xf32>
        %sub3A_779 = arith.subf %gather3A_709, %gather3A_698 : vector<16xf32>
        %add3A_780 = arith.constant 9.99999997E-7 : f32
        %add3A_781 = vector.broadcast %add3A_780 : f32 to vector<16xf32>
        %add3A_782 = arith.addf %sub3A_779, %add3A_781 : vector<16xf32>
        %div3A = arith.divf %sub3A_778, %add3A_782 : vector<16xf32>
        %sub3A_783 = arith.subf %gather3A_749, %gather3A_738 : vector<16xf32>
        %mul3A_784 = arith.mulf %div3A, %sub3A_783 : vector<16xf32>
        %add3A_785 = arith.addf %gather3A_738, %mul3A_784 : vector<16xf32>
        %swap3A = arith.index_cast %scan3A_127 : i32 to index
        %swap3A_786 = arith.constant 0 : index
        %swap3A_787 = tpu.vector_load %arg10[%swap3A, %swap3A_786] {strides = array<i32>} : memref<128x128xf32, #tpu.memory_space<vmem>>, vector<16xf32>,
        tpu.vector_store %arg10[%swap3A, %swap3A_786], %add3A_785 {strides = array<i32>} : memref<128x128xf32, #tpu.memory_space<vmem>>, vector<16xf32>,
        %sub3A_788 = arith.subf %get3A_132, %gather3A_699 : vector<16xf32>
        %sub3A_789 = arith.subf %gather3A_713, %gather3A_699 : vector<16xf32>
        %add3A_790 = arith.constant 9.99999997E-7 : f32
        %add3A_791 = vector.broadcast %add3A_790 : f32 to vector<16xf32>
        %add3A_792 = arith.addf %sub3A_789, %add3A_791 : vector<16xf32>
        %div3A_793 = arith.divf %sub3A_788, %add3A_792 : vector<16xf32>
        %sub3A_794 = arith.subf %gather3A_753, %gather3A_739 : vector<16xf32>
        %mul3A_795 = arith.mulf %div3A_793, %sub3A_794 : vector<16xf32>
        %add3A_796 = arith.addf %gather3A_739, %mul3A_795 : vector<16xf32>
        %swap3A_797 = arith.index_cast %scan3A_127 : i32 to index
        %swap3A_798 = arith.constant 16 : index
        %swap3A_799 = tpu.vector_load %arg10[%swap3A_797, %swap3A_798] {strides = array<i32>} : memref<128x128xf32, #tpu.memory_space<vmem>>, vector<16xf32>,
        tpu.vector_store %arg10[%swap3A_797, %swap3A_798], %add3A_796 {strides = array<i32>} : memref<128x128xf32, #tpu.memory_space<vmem>>, vector<16xf32>,
        %sub3A_800 = arith.subf %get3A_135, %gather3A_700 : vector<16xf32>
        %sub3A_801 = arith.subf %gather3A_717, %gather3A_700 : vector<16xf32>
        %add3A_802 = arith.constant 9.99999997E-7 : f32
        %add3A_803 = vector.broadcast %add3A_802 : f32 to vector<16xf32>
        %add3A_804 = arith.addf %sub3A_801, %add3A_803 : vector<16xf32>
        %div3A_805 = arith.divf %sub3A_800, %add3A_804 : vector<16xf32>
        %sub3A_806 = arith.subf %gather3A_757, %gather3A_740 : vector<16xf32>
        %mul3A_807 = arith.mulf %div3A_805, %sub3A_806 : vector<16xf32>
        %add3A_808 = arith.addf %gather3A_740, %mul3A_807 : vector<16xf32>
        %swap3A_809 = arith.index_cast %scan3A_127 : i32 to index
        %swap3A_810 = arith.constant 32 : index
        %swap3A_811 = tpu.vector_load %arg10[%swap3A_809, %swap3A_810] {strides = array<i32>} : memref<128x128xf32, #tpu.memory_space<vmem>>, vector<16xf32>,
        tpu.vector_store %arg10[%swap3A_809, %swap3A_810], %add3A_808 {strides = array<i32>} : memref<128x128xf32, #tpu.memory_space<vmem>>, vector<16xf32>,
        %sub3A_812 = arith.subf %get3A_138, %gather3A_701 : vector<16xf32>
        %sub3A_813 = arith.subf %gather3A_721, %gather3A_701 : vector<16xf32>
        %add3A_814 = arith.constant 9.99999997E-7 : f32
        %add3A_815 = vector.broadcast %add3A_814 : f32 to vector<16xf32>
        %add3A_816 = arith.addf %sub3A_813, %add3A_815 : vector<16xf32>
        %div3A_817 = arith.divf %sub3A_812, %add3A_816 : vector<16xf32>
        %sub3A_818 = arith.subf %gather3A_761, %gather3A_741 : vector<16xf32>
        %mul3A_819 = arith.mulf %div3A_817, %sub3A_818 : vector<16xf32>
        %add3A_820 = arith.addf %gather3A_741, %mul3A_819 : vector<16xf32>
        %swap3A_821 = arith.index_cast %scan3A_127 : i32 to index
        %swap3A_822 = arith.constant 48 : index
        %swap3A_823 = tpu.vector_load %arg10[%swap3A_821, %swap3A_822] {strides = array<i32>} : memref<128x128xf32, #tpu.memory_space<vmem>>, vector<16xf32>,
        tpu.vector_store %arg10[%swap3A_821, %swap3A_822], %add3A_820 {strides = array<i32>} : memref<128x128xf32, #tpu.memory_space<vmem>>, vector<16xf32>,
        %sub3A_824 = arith.subf %get3A_141, %gather3A_702 : vector<16xf32>
        %sub3A_825 = arith.subf %gather3A_725, %gather3A_702 : vector<16xf32>
        %add3A_826 = arith.constant 9.99999997E-7 : f32
        %add3A_827 = vector.broadcast %add3A_826 : f32 to vector<16xf32>
        %add3A_828 = arith.addf %sub3A_825, %add3A_827 : vector<16xf32>
        %div3A_829 = arith.divf %sub3A_824, %add3A_828 : vector<16xf32>
        %sub3A_830 = arith.subf %gather3A_765, %gather3A_742 : vector<16xf32>
        %mul3A_831 = arith.mulf %div3A_829, %sub3A_830 : vector<16xf32>
        %add3A_832 = arith.addf %gather3A_742, %mul3A_831 : vector<16xf32>
        %swap3A_833 = arith.index_cast %scan3A_127 : i32 to index
        %swap3A_834 = arith.constant 64 : index
        %swap3A_835 = tpu.vector_load %arg10[%swap3A_833, %swap3A_834] {strides = array<i32>} : memref<128x128xf32, #tpu.memory_space<vmem>>, vector<16xf32>,
        tpu.vector_store %arg10[%swap3A_833, %swap3A_834], %add3A_832 {strides = array<i32>} : memref<128x128xf32, #tpu.memory_space<vmem>>, vector<16xf32>,
        %sub3A_836 = arith.subf %get3A_144, %gather3A_703 : vector<16xf32>
        %sub3A_837 = arith.subf %gather3A_729, %gather3A_703 : vector<16xf32>
        %add3A_838 = arith.constant 9.99999997E-7 : f32
        %add3A_839 = vector.broadcast %add3A_838 : f32 to vector<16xf32>
        %add3A_840 = arith.addf %sub3A_837, %add3A_839 : vector<16xf32>
        %div3A_841 = arith.divf %sub3A_836, %add3A_840 : vector<16xf32>
        %sub3A_842 = arith.subf %gather3A_769, %gather3A_743 : vector<16xf32>
        %mul3A_843 = arith.mulf %div3A_841, %sub3A_842 : vector<16xf32>
        %add3A_844 = arith.addf %gather3A_743, %mul3A_843 : vector<16xf32>
        %swap3A_845 = arith.index_cast %scan3A_127 : i32 to index
        %swap3A_846 = arith.constant 80 : index
        %swap3A_847 = tpu.vector_load %arg10[%swap3A_845, %swap3A_846] {strides = array<i32>} : memref<128x128xf32, #tpu.memory_space<vmem>>, vector<16xf32>,
        tpu.vector_store %arg10[%swap3A_845, %swap3A_846], %add3A_844 {strides = array<i32>} : memref<128x128xf32, #tpu.memory_space<vmem>>, vector<16xf32>,
        %sub3A_848 = arith.subf %get3A_147, %gather3A_704 : vector<16xf32>
        %sub3A_849 = arith.subf %gather3A_733, %gather3A_704 : vector<16xf32>
        %add3A_850 = arith.constant 9.99999997E-7 : f32
        %add3A_851 = vector.broadcast %add3A_850 : f32 to vector<16xf32>
        %add3A_852 = arith.addf %sub3A_849, %add3A_851 : vector<16xf32>
        %div3A_853 = arith.divf %sub3A_848, %add3A_852 : vector<16xf32>
        %sub3A_854 = arith.subf %gather3A_773, %gather3A_744 : vector<16xf32>
        %mul3A_855 = arith.mulf %div3A_853, %sub3A_854 : vector<16xf32>
        %add3A_856 = arith.addf %gather3A_744, %mul3A_855 : vector<16xf32>
        %swap3A_857 = arith.index_cast %scan3A_127 : i32 to index
        %swap3A_858 = arith.constant 96 : index
        %swap3A_859 = tpu.vector_load %arg10[%swap3A_857, %swap3A_858] {strides = array<i32>} : memref<128x128xf32, #tpu.memory_space<vmem>>, vector<16xf32>,
        tpu.vector_store %arg10[%swap3A_857, %swap3A_858], %add3A_856 {strides = array<i32>} : memref<128x128xf32, #tpu.memory_space<vmem>>, vector<16xf32>,
        %sub3A_860 = arith.subf %get3A_150, %gather3A_705 : vector<16xf32>
        %sub3A_861 = arith.subf %gather3A_737, %gather3A_705 : vector<16xf32>
        %add3A_862 = arith.constant 9.99999997E-7 : f32
        %add3A_863 = vector.broadcast %add3A_862 : f32 to vector<16xf32>
        %add3A_864 = arith.addf %sub3A_861, %add3A_863 : vector<16xf32>
        %div3A_865 = arith.divf %sub3A_860, %add3A_864 : vector<16xf32>
        %sub3A_866 = arith.subf %gather3A_777, %gather3A_745 : vector<16xf32>
        %mul3A_867 = arith.mulf %div3A_865, %sub3A_866 : vector<16xf32>
        %add3A_868 = arith.addf %gather3A_745, %mul3A_867 : vector<16xf32>
        %swap3A_869 = arith.index_cast %scan3A_127 : i32 to index
        %swap3A_870 = arith.constant 112 : index
        %swap3A_871 = tpu.vector_load %arg10[%swap3A_869, %swap3A_870] {strides = array<i32>} : memref<128x128xf32, #tpu.memory_space<vmem>>, vector<16xf32>,
        tpu.vector_store %arg10[%swap3A_869, %swap3A_870], %add3A_868 {strides = array<i32>} : memref<128x128xf32, #tpu.memory_space<vmem>>, vector<16xf32>,
      }
      %scan3A_90 = arith.constant 128 : i32
      %mul3A_91 = arith.constant 128 : i32
      %mul3A_92 = arith.muli %add3A_78, %mul3A_91 : i32
      %dma_start3A_93 = tpu.memref_slice %arg5[%mul3A_92, %mul3A_2] : memref<8192x4096xf32, #tpu.memory_space<hbm>> -> memref<128x128xf32, #tpu.memory_space<hbm>>
      %dma_start3A_94 = tpu.memref_slice %arg5[%mul3A_92, %mul3A_2] : memref<8192x4096xf32, #tpu.memory_space<hbm>> -> memref<128x128xf32, #tpu.memory_space<hbm>>
      tpu.enqueue_dma source(%arg10 : memref<128x128xf32, #tpu.memory_space<vmem>>) target(%dma_start3A_94 : memref<128x128xf32, #tpu.memory_space<hbm>>) target_semaphore(%arg14 : memref<!tpu.dma_semaphore, #tpu.memory_space<semaphore_mem>>)
      %lt3A = arith.constant 31 : i32
      %lt3A_95 = arith.cmpi slt, %scan3A_74, %lt3A : i32
      %convert_element_type3A_96 = arith.extui %lt3A_95 : i1 to i32
      %cond3A_97 = arith.constant 0 : i32
      %cond3A_98 = arith.cmpi ne, %convert_element_type3A_96, %cond3A_97 : i32
      scf.if %cond3A_98 {
        %add3A_127 = arith.constant 2 : i32
        %add3A_128 = arith.addi %add3A_78, %add3A_127 : i32
        %mul3A_129 = arith.constant 128 : i32
        %mul3A_130 = arith.muli %add3A_128, %mul3A_129 : i32
        %dma_start3A_131 = tpu.memref_slice %arg2[%mul3A_130, %mul3A_2] : memref<8192x4096xf32, #tpu.memory_space<hbm>> -> memref<128x128xf32, #tpu.memory_space<hbm>>
        %dma_start3A_132 = tpu.memref_slice %arg2[%mul3A_130, %mul3A_2] : memref<8192x4096xf32, #tpu.memory_space<hbm>> -> memref<128x128xf32, #tpu.memory_space<hbm>>
        tpu.enqueue_dma source(%dma_start3A_132 : memref<128x128xf32, #tpu.memory_space<hbm>>) target(%arg8 : memref<128x128xf32, #tpu.memory_space<vmem>>) target_semaphore(%arg12 : memref<!tpu.dma_semaphore, #tpu.memory_space<semaphore_mem>>)
      } else {
      }
      %mul3A_99 = arith.constant 2 : i32
      %mul3A_100 = arith.muli %scan3A_74, %mul3A_99 : i32
      %add3A_101 = arith.constant 1 : i32
      %add3A_102 = arith.addi %mul3A_100, %add3A_101 : i32
      %mul3A_103 = arith.constant 128 : i32
      %mul3A_104 = arith.muli %add3A_102, %mul3A_103 : i32
      %dma_wait3A_105 = tpu.memref_slice %arg2[%mul3A_104, %mul3A_2] : memref<8192x4096xf32, #tpu.memory_space<hbm>> -> memref<128x128xf32, #tpu.memory_space<hbm>>
      %dma_wait3A_106 = tpu.memref_slice %arg2[%mul3A_104, %mul3A_2] : memref<8192x4096xf32, #tpu.memory_space<hbm>> -> memref<128x128xf32, #tpu.memory_space<hbm>>
      tpu.wait_dma2 semaphore(%arg13 : memref<!tpu.dma_semaphore, #tpu.memory_space<semaphore_mem>>) src(%dma_wait3A_106 : memref<128x128xf32, #tpu.memory_space<hbm>>) dst(%arg9 : memref<128x128xf32, #tpu.memory_space<vmem>>)
      %ge3A_107 = arith.constant 1 : i32
      %ge3A_108 = arith.cmpi sge, %scan3A_74, %ge3A_107 : i32
      %convert_element_type3A_109 = arith.extui %ge3A_108 : i1 to i32
      %cond3A_110 = arith.constant 0 : i32
      %cond3A_111 = arith.cmpi ne, %convert_element_type3A_109, %cond3A_110 : i32
      scf.if %cond3A_111 {
        %sub3A = arith.constant 2 : i32
        %sub3A_127 = arith.subi %add3A_102, %sub3A : i32
        %mul3A_128 = arith.constant 128 : i32
        %mul3A_129 = arith.muli %sub3A_127, %mul3A_128 : i32
        %dma_wait3A_130 = tpu.memref_slice %arg5[%mul3A_129, %mul3A_2] : memref<8192x4096xf32, #tpu.memory_space<hbm>> -> memref<128x128xf32, #tpu.memory_space<hbm>>
        %dma_wait3A_131 = tpu.memref_slice %arg5[%mul3A_129, %mul3A_2] : memref<8192x4096xf32, #tpu.memory_space<hbm>> -> memref<128x128xf32, #tpu.memory_space<hbm>>
        tpu.wait_dma2 semaphore(%arg15 : memref<!tpu.dma_semaphore, #tpu.memory_space<semaphore_mem>>) src(%arg11 : memref<128x128xf32, #tpu.memory_space<vmem>>) dst(%dma_wait3A_131 : memref<128x128xf32, #tpu.memory_space<hbm>>)
      } else {
      }
      %scan3A_112 = arith.constant 0 : i32
      %scan3A_113 = arith.constant 0 : i32
      %scan3A_114 = arith.constant 128 : i32
      %scan3A_115 = arith.addi %scan3A_113, %scan3A_114 : i32
      %scan3A_116 = arith.constant 1 : i32
      scf.for %scan3A_127 = %scan3A_113 to %scan3A_115 step %scan3A_116  : i32 {
        %get3A = arith.index_cast %scan3A_127 : i32 to index
        %get3A_128 = arith.constant 0 : index
        %get3A_129 = tpu.vector_load %arg9[%get3A, %get3A_128] {strides = array<i32>} : memref<128x128xf32, #tpu.memory_space<vmem>>, vector<16xf32>,
        %get3A_130 = arith.index_cast %scan3A_127 : i32 to index
        %get3A_131 = arith.constant 16 : index
        %get3A_132 = tpu.vector_load %arg9[%get3A_130, %get3A_131] {strides = array<i32>} : memref<128x128xf32, #tpu.memory_space<vmem>>, vector<16xf32>,
        %get3A_133 = arith.index_cast %scan3A_127 : i32 to index
        %get3A_134 = arith.constant 32 : index
        %get3A_135 = tpu.vector_load %arg9[%get3A_133, %get3A_134] {strides = array<i32>} : memref<128x128xf32, #tpu.memory_space<vmem>>, vector<16xf32>,
        %get3A_136 = arith.index_cast %scan3A_127 : i32 to index
        %get3A_137 = arith.constant 48 : index
        %get3A_138 = tpu.vector_load %arg9[%get3A_136, %get3A_137] {strides = array<i32>} : memref<128x128xf32, #tpu.memory_space<vmem>>, vector<16xf32>,
        %get3A_139 = arith.index_cast %scan3A_127 : i32 to index
        %get3A_140 = arith.constant 64 : index
        %get3A_141 = tpu.vector_load %arg9[%get3A_139, %get3A_140] {strides = array<i32>} : memref<128x128xf32, #tpu.memory_space<vmem>>, vector<16xf32>,
        %get3A_142 = arith.index_cast %scan3A_127 : i32 to index
        %get3A_143 = arith.constant 80 : index
        %get3A_144 = tpu.vector_load %arg9[%get3A_142, %get3A_143] {strides = array<i32>} : memref<128x128xf32, #tpu.memory_space<vmem>>, vector<16xf32>,
        %get3A_145 = arith.index_cast %scan3A_127 : i32 to index
        %get3A_146 = arith.constant 96 : index
        %get3A_147 = tpu.vector_load %arg9[%get3A_145, %get3A_146] {strides = array<i32>} : memref<128x128xf32, #tpu.memory_space<vmem>>, vector<16xf32>,
        %get3A_148 = arith.index_cast %scan3A_127 : i32 to index
        %get3A_149 = arith.constant 112 : index
        %get3A_150 = tpu.vector_load %arg9[%get3A_148, %get3A_149] {strides = array<i32>} : memref<128x128xf32, #tpu.memory_space<vmem>>, vector<16xf32>,
        %broadcast_in_dim3A = arith.constant 0 : i32
        %broadcast_in_dim3A_151 = vector.broadcast %broadcast_in_dim3A : i32 to vector<16xi32>
        %broadcast_in_dim3A_152 = arith.constant 0 : i32
        %broadcast_in_dim3A_153 = vector.broadcast %broadcast_in_dim3A_152 : i32 to vector<16xi32>
        %broadcast_in_dim3A_154 = arith.constant 0 : i32
        %broadcast_in_dim3A_155 = vector.broadcast %broadcast_in_dim3A_154 : i32 to vector<16xi32>
        %broadcast_in_dim3A_156 = arith.constant 0 : i32
        %broadcast_in_dim3A_157 = vector.broadcast %broadcast_in_dim3A_156 : i32 to vector<16xi32>
        %broadcast_in_dim3A_158 = arith.constant 0 : i32
        %broadcast_in_dim3A_159 = vector.broadcast %broadcast_in_dim3A_158 : i32 to vector<16xi32>
        %broadcast_in_dim3A_160 = arith.constant 0 : i32
        %broadcast_in_dim3A_161 = vector.broadcast %broadcast_in_dim3A_160 : i32 to vector<16xi32>
        %broadcast_in_dim3A_162 = arith.constant 0 : i32
        %broadcast_in_dim3A_163 = vector.broadcast %broadcast_in_dim3A_162 : i32 to vector<16xi32>
        %broadcast_in_dim3A_164 = arith.constant 0 : i32
        %broadcast_in_dim3A_165 = vector.broadcast %broadcast_in_dim3A_164 : i32 to vector<16xi32>
        %add3A_166 = arith.constant 31 : i32
        %add3A_167 = vector.broadcast %add3A_166 : i32 to vector<16xi32>
        %add3A_168 = arith.addi %broadcast_in_dim3A_151, %add3A_167 : vector<16xi32>
        %add3A_169 = arith.addi %mul3A_12, %add3A_168 : vector<16xi32>
        %gather3A = tpu.vector_load_idx %arg6[%add3A_169] : memref<8192xf32, #tpu.memory_space<vmem>>[vector<16xi32>], vector<16xf32>,
        %add3A_170 = arith.constant 31 : i32
        %add3A_171 = vector.broadcast %add3A_170 : i32 to vector<16xi32>
        %add3A_172 = arith.addi %broadcast_in_dim3A_153, %add3A_171 : vector<16xi32>
        %add3A_173 = arith.addi %mul3A_18, %add3A_172 : vector<16xi32>
        %gather3A_174 = tpu.vector_load_idx %arg6[%add3A_173] : memref<8192xf32, #tpu.memory_space<vmem>>[vector<16xi32>], vector<16xf32>,
        %add3A_175 = arith.constant 31 : i32
        %add3A_176 = vector.broadcast %add3A_175 : i32 to vector<16xi32>
        %add3A_177 = arith.addi %broadcast_in_dim3A_155, %add3A_176 : vector<16xi32>
        %add3A_178 = arith.addi %mul3A_24, %add3A_177 : vector<16xi32>
        %gather3A_179 = tpu.vector_load_idx %arg6[%add3A_178] : memref<8192xf32, #tpu.memory_space<vmem>>[vector<16xi32>], vector<16xf32>,
        %add3A_180 = arith.constant 31 : i32
        %add3A_181 = vector.broadcast %add3A_180 : i32 to vector<16xi32>
        %add3A_182 = arith.addi %broadcast_in_dim3A_157, %add3A_181 : vector<16xi32>
        %add3A_183 = arith.addi %mul3A_30, %add3A_182 : vector<16xi32>
        %gather3A_184 = tpu.vector_load_idx %arg6[%add3A_183] : memref<8192xf32, #tpu.memory_space<vmem>>[vector<16xi32>], vector<16xf32>,
        %add3A_185 = arith.constant 31 : i32
        %add3A_186 = vector.broadcast %add3A_185 : i32 to vector<16xi32>
        %add3A_187 = arith.addi %broadcast_in_dim3A_159, %add3A_186 : vector<16xi32>
        %add3A_188 = arith.addi %mul3A_36, %add3A_187 : vector<16xi32>
        %gather3A_189 = tpu.vector_load_idx %arg6[%add3A_188] : memref<8192xf32, #tpu.memory_space<vmem>>[vector<16xi32>], vector<16xf32>,
        %add3A_190 = arith.constant 31 : i32
        %add3A_191 = vector.broadcast %add3A_190 : i32 to vector<16xi32>
        %add3A_192 = arith.addi %broadcast_in_dim3A_161, %add3A_191 : vector<16xi32>
        %add3A_193 = arith.addi %mul3A_42, %add3A_192 : vector<16xi32>
        %gather3A_194 = tpu.vector_load_idx %arg6[%add3A_193] : memref<8192xf32, #tpu.memory_space<vmem>>[vector<16xi32>], vector<16xf32>,
        %add3A_195 = arith.constant 31 : i32
        %add3A_196 = vector.broadcast %add3A_195 : i32 to vector<16xi32>
        %add3A_197 = arith.addi %broadcast_in_dim3A_163, %add3A_196 : vector<16xi32>
        %add3A_198 = arith.addi %mul3A_48, %add3A_197 : vector<16xi32>
        %gather3A_199 = tpu.vector_load_idx %arg6[%add3A_198] : memref<8192xf32, #tpu.memory_space<vmem>>[vector<16xi32>], vector<16xf32>,
        %add3A_200 = arith.constant 31 : i32
        %add3A_201 = vector.broadcast %add3A_200 : i32 to vector<16xi32>
        %add3A_202 = arith.addi %broadcast_in_dim3A_165, %add3A_201 : vector<16xi32>
        %add3A_203 = arith.addi %mul3A_54, %add3A_202 : vector<16xi32>
        %gather3A_204 = tpu.vector_load_idx %arg6[%add3A_203] : memref<8192xf32, #tpu.memory_space<vmem>>[vector<16xi32>], vector<16xf32>,
        %lt3A_205 = arith.cmpf olt, %gather3A, %get3A_129 : vector<16xf32>
        %add3A_206 = arith.constant 32 : i32
        %add3A_207 = vector.broadcast %add3A_206 : i32 to vector<16xi32>
        %add3A_208 = arith.addi %broadcast_in_dim3A_151, %add3A_207 : vector<16xi32>
        %select_n3A = arith.select %lt3A_205, %add3A_208, %broadcast_in_dim3A_151 : vector<16xi1>, vector<16xi32>
        %lt3A_209 = arith.cmpf olt, %gather3A_174, %get3A_132 : vector<16xf32>
        %add3A_210 = arith.constant 32 : i32
        %add3A_211 = vector.broadcast %add3A_210 : i32 to vector<16xi32>
        %add3A_212 = arith.addi %broadcast_in_dim3A_153, %add3A_211 : vector<16xi32>
        %select_n3A_213 = arith.select %lt3A_209, %add3A_212, %broadcast_in_dim3A_153 : vector<16xi1>, vector<16xi32>
        %lt3A_214 = arith.cmpf olt, %gather3A_179, %get3A_135 : vector<16xf32>
        %add3A_215 = arith.constant 32 : i32
        %add3A_216 = vector.broadcast %add3A_215 : i32 to vector<16xi32>
        %add3A_217 = arith.addi %broadcast_in_dim3A_155, %add3A_216 : vector<16xi32>
        %select_n3A_218 = arith.select %lt3A_214, %add3A_217, %broadcast_in_dim3A_155 : vector<16xi1>, vector<16xi32>
        %lt3A_219 = arith.cmpf olt, %gather3A_184, %get3A_138 : vector<16xf32>
        %add3A_220 = arith.constant 32 : i32
        %add3A_221 = vector.broadcast %add3A_220 : i32 to vector<16xi32>
        %add3A_222 = arith.addi %broadcast_in_dim3A_157, %add3A_221 : vector<16xi32>
        %select_n3A_223 = arith.select %lt3A_219, %add3A_222, %broadcast_in_dim3A_157 : vector<16xi1>, vector<16xi32>
        %lt3A_224 = arith.cmpf olt, %gather3A_189, %get3A_141 : vector<16xf32>
        %add3A_225 = arith.constant 32 : i32
        %add3A_226 = vector.broadcast %add3A_225 : i32 to vector<16xi32>
        %add3A_227 = arith.addi %broadcast_in_dim3A_159, %add3A_226 : vector<16xi32>
        %select_n3A_228 = arith.select %lt3A_224, %add3A_227, %broadcast_in_dim3A_159 : vector<16xi1>, vector<16xi32>
        %lt3A_229 = arith.cmpf olt, %gather3A_194, %get3A_144 : vector<16xf32>
        %add3A_230 = arith.constant 32 : i32
        %add3A_231 = vector.broadcast %add3A_230 : i32 to vector<16xi32>
        %add3A_232 = arith.addi %broadcast_in_dim3A_161, %add3A_231 : vector<16xi32>
        %select_n3A_233 = arith.select %lt3A_229, %add3A_232, %broadcast_in_dim3A_161 : vector<16xi1>, vector<16xi32>
        %lt3A_234 = arith.cmpf olt, %gather3A_199, %get3A_147 : vector<16xf32>
        %add3A_235 = arith.constant 32 : i32
        %add3A_236 = vector.broadcast %add3A_235 : i32 to vector<16xi32>
        %add3A_237 = arith.addi %broadcast_in_dim3A_163, %add3A_236 : vector<16xi32>
        %select_n3A_238 = arith.select %lt3A_234, %add3A_237, %broadcast_in_dim3A_163 : vector<16xi1>, vector<16xi32>
        %lt3A_239 = arith.cmpf olt, %gather3A_204, %get3A_150 : vector<16xf32>
        %add3A_240 = arith.constant 32 : i32
        %add3A_241 = vector.broadcast %add3A_240 : i32 to vector<16xi32>
        %add3A_242 = arith.addi %broadcast_in_dim3A_165, %add3A_241 : vector<16xi32>
        %select_n3A_243 = arith.select %lt3A_239, %add3A_242, %broadcast_in_dim3A_165 : vector<16xi1>, vector<16xi32>
        %add3A_244 = arith.constant 15 : i32
        %add3A_245 = vector.broadcast %add3A_244 : i32 to vector<16xi32>
        %add3A_246 = arith.addi %select_n3A, %add3A_245 : vector<16xi32>
        %add3A_247 = arith.addi %mul3A_12, %add3A_246 : vector<16xi32>
        %gather3A_248 = tpu.vector_load_idx %arg6[%add3A_247] : memref<8192xf32, #tpu.memory_space<vmem>>[vector<16xi32>], vector<16xf32>,
        %add3A_249 = arith.constant 15 : i32
        %add3A_250 = vector.broadcast %add3A_249 : i32 to vector<16xi32>
        %add3A_251 = arith.addi %select_n3A_213, %add3A_250 : vector<16xi32>
        %add3A_252 = arith.addi %mul3A_18, %add3A_251 : vector<16xi32>
        %gather3A_253 = tpu.vector_load_idx %arg6[%add3A_252] : memref<8192xf32, #tpu.memory_space<vmem>>[vector<16xi32>], vector<16xf32>,
        %add3A_254 = arith.constant 15 : i32
        %add3A_255 = vector.broadcast %add3A_254 : i32 to vector<16xi32>
        %add3A_256 = arith.addi %select_n3A_218, %add3A_255 : vector<16xi32>
        %add3A_257 = arith.addi %mul3A_24, %add3A_256 : vector<16xi32>
        %gather3A_258 = tpu.vector_load_idx %arg6[%add3A_257] : memref<8192xf32, #tpu.memory_space<vmem>>[vector<16xi32>], vector<16xf32>,
        %add3A_259 = arith.constant 15 : i32
        %add3A_260 = vector.broadcast %add3A_259 : i32 to vector<16xi32>
        %add3A_261 = arith.addi %select_n3A_223, %add3A_260 : vector<16xi32>
        %add3A_262 = arith.addi %mul3A_30, %add3A_261 : vector<16xi32>
        %gather3A_263 = tpu.vector_load_idx %arg6[%add3A_262] : memref<8192xf32, #tpu.memory_space<vmem>>[vector<16xi32>], vector<16xf32>,
        %add3A_264 = arith.constant 15 : i32
        %add3A_265 = vector.broadcast %add3A_264 : i32 to vector<16xi32>
        %add3A_266 = arith.addi %select_n3A_228, %add3A_265 : vector<16xi32>
        %add3A_267 = arith.addi %mul3A_36, %add3A_266 : vector<16xi32>
        %gather3A_268 = tpu.vector_load_idx %arg6[%add3A_267] : memref<8192xf32, #tpu.memory_space<vmem>>[vector<16xi32>], vector<16xf32>,
        %add3A_269 = arith.constant 15 : i32
        %add3A_270 = vector.broadcast %add3A_269 : i32 to vector<16xi32>
        %add3A_271 = arith.addi %select_n3A_233, %add3A_270 : vector<16xi32>
        %add3A_272 = arith.addi %mul3A_42, %add3A_271 : vector<16xi32>
        %gather3A_273 = tpu.vector_load_idx %arg6[%add3A_272] : memref<8192xf32, #tpu.memory_space<vmem>>[vector<16xi32>], vector<16xf32>,
        %add3A_274 = arith.constant 15 : i32
        %add3A_275 = vector.broadcast %add3A_274 : i32 to vector<16xi32>
        %add3A_276 = arith.addi %select_n3A_238, %add3A_275 : vector<16xi32>
        %add3A_277 = arith.addi %mul3A_48, %add3A_276 : vector<16xi32>
        %gather3A_278 = tpu.vector_load_idx %arg6[%add3A_277] : memref<8192xf32, #tpu.memory_space<vmem>>[vector<16xi32>], vector<16xf32>,
        %add3A_279 = arith.constant 15 : i32
        %add3A_280 = vector.broadcast %add3A_279 : i32 to vector<16xi32>
        %add3A_281 = arith.addi %select_n3A_243, %add3A_280 : vector<16xi32>
        %add3A_282 = arith.addi %mul3A_54, %add3A_281 : vector<16xi32>
        %gather3A_283 = tpu.vector_load_idx %arg6[%add3A_282] : memref<8192xf32, #tpu.memory_space<vmem>>[vector<16xi32>], vector<16xf32>,
        %lt3A_284 = arith.cmpf olt, %gather3A_248, %get3A_129 : vector<16xf32>
        %add3A_285 = arith.constant 16 : i32
        %add3A_286 = vector.broadcast %add3A_285 : i32 to vector<16xi32>
        %add3A_287 = arith.addi %select_n3A, %add3A_286 : vector<16xi32>
        %select_n3A_288 = arith.select %lt3A_284, %add3A_287, %select_n3A : vector<16xi1>, vector<16xi32>
        %lt3A_289 = arith.cmpf olt, %gather3A_253, %get3A_132 : vector<16xf32>
        %add3A_290 = arith.constant 16 : i32
        %add3A_291 = vector.broadcast %add3A_290 : i32 to vector<16xi32>
        %add3A_292 = arith.addi %select_n3A_213, %add3A_291 : vector<16xi32>
        %select_n3A_293 = arith.select %lt3A_289, %add3A_292, %select_n3A_213 : vector<16xi1>, vector<16xi32>
        %lt3A_294 = arith.cmpf olt, %gather3A_258, %get3A_135 : vector<16xf32>
        %add3A_295 = arith.constant 16 : i32
        %add3A_296 = vector.broadcast %add3A_295 : i32 to vector<16xi32>
        %add3A_297 = arith.addi %select_n3A_218, %add3A_296 : vector<16xi32>
        %select_n3A_298 = arith.select %lt3A_294, %add3A_297, %select_n3A_218 : vector<16xi1>, vector<16xi32>
        %lt3A_299 = arith.cmpf olt, %gather3A_263, %get3A_138 : vector<16xf32>
        %add3A_300 = arith.constant 16 : i32
        %add3A_301 = vector.broadcast %add3A_300 : i32 to vector<16xi32>
        %add3A_302 = arith.addi %select_n3A_223, %add3A_301 : vector<16xi32>
        %select_n3A_303 = arith.select %lt3A_299, %add3A_302, %select_n3A_223 : vector<16xi1>, vector<16xi32>
        %lt3A_304 = arith.cmpf olt, %gather3A_268, %get3A_141 : vector<16xf32>
        %add3A_305 = arith.constant 16 : i32
        %add3A_306 = vector.broadcast %add3A_305 : i32 to vector<16xi32>
        %add3A_307 = arith.addi %select_n3A_228, %add3A_306 : vector<16xi32>
        %select_n3A_308 = arith.select %lt3A_304, %add3A_307, %select_n3A_228 : vector<16xi1>, vector<16xi32>
        %lt3A_309 = arith.cmpf olt, %gather3A_273, %get3A_144 : vector<16xf32>
        %add3A_310 = arith.constant 16 : i32
        %add3A_311 = vector.broadcast %add3A_310 : i32 to vector<16xi32>
        %add3A_312 = arith.addi %select_n3A_233, %add3A_311 : vector<16xi32>
        %select_n3A_313 = arith.select %lt3A_309, %add3A_312, %select_n3A_233 : vector<16xi1>, vector<16xi32>
        %lt3A_314 = arith.cmpf olt, %gather3A_278, %get3A_147 : vector<16xf32>
        %add3A_315 = arith.constant 16 : i32
        %add3A_316 = vector.broadcast %add3A_315 : i32 to vector<16xi32>
        %add3A_317 = arith.addi %select_n3A_238, %add3A_316 : vector<16xi32>
        %select_n3A_318 = arith.select %lt3A_314, %add3A_317, %select_n3A_238 : vector<16xi1>, vector<16xi32>
        %lt3A_319 = arith.cmpf olt, %gather3A_283, %get3A_150 : vector<16xf32>
        %add3A_320 = arith.constant 16 : i32
        %add3A_321 = vector.broadcast %add3A_320 : i32 to vector<16xi32>
        %add3A_322 = arith.addi %select_n3A_243, %add3A_321 : vector<16xi32>
        %select_n3A_323 = arith.select %lt3A_319, %add3A_322, %select_n3A_243 : vector<16xi1>, vector<16xi32>
        %add3A_324 = arith.constant 7 : i32
        %add3A_325 = vector.broadcast %add3A_324 : i32 to vector<16xi32>
        %add3A_326 = arith.addi %select_n3A_288, %add3A_325 : vector<16xi32>
        %add3A_327 = arith.addi %mul3A_12, %add3A_326 : vector<16xi32>
        %gather3A_328 = tpu.vector_load_idx %arg6[%add3A_327] : memref<8192xf32, #tpu.memory_space<vmem>>[vector<16xi32>], vector<16xf32>,
        %add3A_329 = arith.constant 7 : i32
        %add3A_330 = vector.broadcast %add3A_329 : i32 to vector<16xi32>
        %add3A_331 = arith.addi %select_n3A_293, %add3A_330 : vector<16xi32>
        %add3A_332 = arith.addi %mul3A_18, %add3A_331 : vector<16xi32>
        %gather3A_333 = tpu.vector_load_idx %arg6[%add3A_332] : memref<8192xf32, #tpu.memory_space<vmem>>[vector<16xi32>], vector<16xf32>,
        %add3A_334 = arith.constant 7 : i32
        %add3A_335 = vector.broadcast %add3A_334 : i32 to vector<16xi32>
        %add3A_336 = arith.addi %select_n3A_298, %add3A_335 : vector<16xi32>
        %add3A_337 = arith.addi %mul3A_24, %add3A_336 : vector<16xi32>
        %gather3A_338 = tpu.vector_load_idx %arg6[%add3A_337] : memref<8192xf32, #tpu.memory_space<vmem>>[vector<16xi32>], vector<16xf32>,
        %add3A_339 = arith.constant 7 : i32
        %add3A_340 = vector.broadcast %add3A_339 : i32 to vector<16xi32>
        %add3A_341 = arith.addi %select_n3A_303, %add3A_340 : vector<16xi32>
        %add3A_342 = arith.addi %mul3A_30, %add3A_341 : vector<16xi32>
        %gather3A_343 = tpu.vector_load_idx %arg6[%add3A_342] : memref<8192xf32, #tpu.memory_space<vmem>>[vector<16xi32>], vector<16xf32>,
        %add3A_344 = arith.constant 7 : i32
        %add3A_345 = vector.broadcast %add3A_344 : i32 to vector<16xi32>
        %add3A_346 = arith.addi %select_n3A_308, %add3A_345 : vector<16xi32>
        %add3A_347 = arith.addi %mul3A_36, %add3A_346 : vector<16xi32>
        %gather3A_348 = tpu.vector_load_idx %arg6[%add3A_347] : memref<8192xf32, #tpu.memory_space<vmem>>[vector<16xi32>], vector<16xf32>,
        %add3A_349 = arith.constant 7 : i32
        %add3A_350 = vector.broadcast %add3A_349 : i32 to vector<16xi32>
        %add3A_351 = arith.addi %select_n3A_313, %add3A_350 : vector<16xi32>
        %add3A_352 = arith.addi %mul3A_42, %add3A_351 : vector<16xi32>
        %gather3A_353 = tpu.vector_load_idx %arg6[%add3A_352] : memref<8192xf32, #tpu.memory_space<vmem>>[vector<16xi32>], vector<16xf32>,
        %add3A_354 = arith.constant 7 : i32
        %add3A_355 = vector.broadcast %add3A_354 : i32 to vector<16xi32>
        %add3A_356 = arith.addi %select_n3A_318, %add3A_355 : vector<16xi32>
        %add3A_357 = arith.addi %mul3A_48, %add3A_356 : vector<16xi32>
        %gather3A_358 = tpu.vector_load_idx %arg6[%add3A_357] : memref<8192xf32, #tpu.memory_space<vmem>>[vector<16xi32>], vector<16xf32>,
        %add3A_359 = arith.constant 7 : i32
        %add3A_360 = vector.broadcast %add3A_359 : i32 to vector<16xi32>
        %add3A_361 = arith.addi %select_n3A_323, %add3A_360 : vector<16xi32>
        %add3A_362 = arith.addi %mul3A_54, %add3A_361 : vector<16xi32>
        %gather3A_363 = tpu.vector_load_idx %arg6[%add3A_362] : memref<8192xf32, #tpu.memory_space<vmem>>[vector<16xi32>], vector<16xf32>,
        %lt3A_364 = arith.cmpf olt, %gather3A_328, %get3A_129 : vector<16xf32>
        %add3A_365 = arith.constant 8 : i32
        %add3A_366 = vector.broadcast %add3A_365 : i32 to vector<16xi32>
        %add3A_367 = arith.addi %select_n3A_288, %add3A_366 : vector<16xi32>
        %select_n3A_368 = arith.select %lt3A_364, %add3A_367, %select_n3A_288 : vector<16xi1>, vector<16xi32>
        %lt3A_369 = arith.cmpf olt, %gather3A_333, %get3A_132 : vector<16xf32>
        %add3A_370 = arith.constant 8 : i32
        %add3A_371 = vector.broadcast %add3A_370 : i32 to vector<16xi32>
        %add3A_372 = arith.addi %select_n3A_293, %add3A_371 : vector<16xi32>
        %select_n3A_373 = arith.select %lt3A_369, %add3A_372, %select_n3A_293 : vector<16xi1>, vector<16xi32>
        %lt3A_374 = arith.cmpf olt, %gather3A_338, %get3A_135 : vector<16xf32>
        %add3A_375 = arith.constant 8 : i32
        %add3A_376 = vector.broadcast %add3A_375 : i32 to vector<16xi32>
        %add3A_377 = arith.addi %select_n3A_298, %add3A_376 : vector<16xi32>
        %select_n3A_378 = arith.select %lt3A_374, %add3A_377, %select_n3A_298 : vector<16xi1>, vector<16xi32>
        %lt3A_379 = arith.cmpf olt, %gather3A_343, %get3A_138 : vector<16xf32>
        %add3A_380 = arith.constant 8 : i32
        %add3A_381 = vector.broadcast %add3A_380 : i32 to vector<16xi32>
        %add3A_382 = arith.addi %select_n3A_303, %add3A_381 : vector<16xi32>
        %select_n3A_383 = arith.select %lt3A_379, %add3A_382, %select_n3A_303 : vector<16xi1>, vector<16xi32>
        %lt3A_384 = arith.cmpf olt, %gather3A_348, %get3A_141 : vector<16xf32>
        %add3A_385 = arith.constant 8 : i32
        %add3A_386 = vector.broadcast %add3A_385 : i32 to vector<16xi32>
        %add3A_387 = arith.addi %select_n3A_308, %add3A_386 : vector<16xi32>
        %select_n3A_388 = arith.select %lt3A_384, %add3A_387, %select_n3A_308 : vector<16xi1>, vector<16xi32>
        %lt3A_389 = arith.cmpf olt, %gather3A_353, %get3A_144 : vector<16xf32>
        %add3A_390 = arith.constant 8 : i32
        %add3A_391 = vector.broadcast %add3A_390 : i32 to vector<16xi32>
        %add3A_392 = arith.addi %select_n3A_313, %add3A_391 : vector<16xi32>
        %select_n3A_393 = arith.select %lt3A_389, %add3A_392, %select_n3A_313 : vector<16xi1>, vector<16xi32>
        %lt3A_394 = arith.cmpf olt, %gather3A_358, %get3A_147 : vector<16xf32>
        %add3A_395 = arith.constant 8 : i32
        %add3A_396 = vector.broadcast %add3A_395 : i32 to vector<16xi32>
        %add3A_397 = arith.addi %select_n3A_318, %add3A_396 : vector<16xi32>
        %select_n3A_398 = arith.select %lt3A_394, %add3A_397, %select_n3A_318 : vector<16xi1>, vector<16xi32>
        %lt3A_399 = arith.cmpf olt, %gather3A_363, %get3A_150 : vector<16xf32>
        %add3A_400 = arith.constant 8 : i32
        %add3A_401 = vector.broadcast %add3A_400 : i32 to vector<16xi32>
        %add3A_402 = arith.addi %select_n3A_323, %add3A_401 : vector<16xi32>
        %select_n3A_403 = arith.select %lt3A_399, %add3A_402, %select_n3A_323 : vector<16xi1>, vector<16xi32>
        %add3A_404 = arith.constant 3 : i32
        %add3A_405 = vector.broadcast %add3A_404 : i32 to vector<16xi32>
        %add3A_406 = arith.addi %select_n3A_368, %add3A_405 : vector<16xi32>
        %add3A_407 = arith.addi %mul3A_12, %add3A_406 : vector<16xi32>
        %gather3A_408 = tpu.vector_load_idx %arg6[%add3A_407] : memref<8192xf32, #tpu.memory_space<vmem>>[vector<16xi32>], vector<16xf32>,
        %add3A_409 = arith.constant 3 : i32
        %add3A_410 = vector.broadcast %add3A_409 : i32 to vector<16xi32>
        %add3A_411 = arith.addi %select_n3A_373, %add3A_410 : vector<16xi32>
        %add3A_412 = arith.addi %mul3A_18, %add3A_411 : vector<16xi32>
        %gather3A_413 = tpu.vector_load_idx %arg6[%add3A_412] : memref<8192xf32, #tpu.memory_space<vmem>>[vector<16xi32>], vector<16xf32>,
        %add3A_414 = arith.constant 3 : i32
        %add3A_415 = vector.broadcast %add3A_414 : i32 to vector<16xi32>
        %add3A_416 = arith.addi %select_n3A_378, %add3A_415 : vector<16xi32>
        %add3A_417 = arith.addi %mul3A_24, %add3A_416 : vector<16xi32>
        %gather3A_418 = tpu.vector_load_idx %arg6[%add3A_417] : memref<8192xf32, #tpu.memory_space<vmem>>[vector<16xi32>], vector<16xf32>,
        %add3A_419 = arith.constant 3 : i32
        %add3A_420 = vector.broadcast %add3A_419 : i32 to vector<16xi32>
        %add3A_421 = arith.addi %select_n3A_383, %add3A_420 : vector<16xi32>
        %add3A_422 = arith.addi %mul3A_30, %add3A_421 : vector<16xi32>
        %gather3A_423 = tpu.vector_load_idx %arg6[%add3A_422] : memref<8192xf32, #tpu.memory_space<vmem>>[vector<16xi32>], vector<16xf32>,
        %add3A_424 = arith.constant 3 : i32
        %add3A_425 = vector.broadcast %add3A_424 : i32 to vector<16xi32>
        %add3A_426 = arith.addi %select_n3A_388, %add3A_425 : vector<16xi32>
        %add3A_427 = arith.addi %mul3A_36, %add3A_426 : vector<16xi32>
        %gather3A_428 = tpu.vector_load_idx %arg6[%add3A_427] : memref<8192xf32, #tpu.memory_space<vmem>>[vector<16xi32>], vector<16xf32>,
        %add3A_429 = arith.constant 3 : i32
        %add3A_430 = vector.broadcast %add3A_429 : i32 to vector<16xi32>
        %add3A_431 = arith.addi %select_n3A_393, %add3A_430 : vector<16xi32>
        %add3A_432 = arith.addi %mul3A_42, %add3A_431 : vector<16xi32>
        %gather3A_433 = tpu.vector_load_idx %arg6[%add3A_432] : memref<8192xf32, #tpu.memory_space<vmem>>[vector<16xi32>], vector<16xf32>,
        %add3A_434 = arith.constant 3 : i32
        %add3A_435 = vector.broadcast %add3A_434 : i32 to vector<16xi32>
        %add3A_436 = arith.addi %select_n3A_398, %add3A_435 : vector<16xi32>
        %add3A_437 = arith.addi %mul3A_48, %add3A_436 : vector<16xi32>
        %gather3A_438 = tpu.vector_load_idx %arg6[%add3A_437] : memref<8192xf32, #tpu.memory_space<vmem>>[vector<16xi32>], vector<16xf32>,
        %add3A_439 = arith.constant 3 : i32
        %add3A_440 = vector.broadcast %add3A_439 : i32 to vector<16xi32>
        %add3A_441 = arith.addi %select_n3A_403, %add3A_440 : vector<16xi32>
        %add3A_442 = arith.addi %mul3A_54, %add3A_441 : vector<16xi32>
        %gather3A_443 = tpu.vector_load_idx %arg6[%add3A_442] : memref<8192xf32, #tpu.memory_space<vmem>>[vector<16xi32>], vector<16xf32>,
        %lt3A_444 = arith.cmpf olt, %gather3A_408, %get3A_129 : vector<16xf32>
        %add3A_445 = arith.constant 4 : i32
        %add3A_446 = vector.broadcast %add3A_445 : i32 to vector<16xi32>
        %add3A_447 = arith.addi %select_n3A_368, %add3A_446 : vector<16xi32>
        %select_n3A_448 = arith.select %lt3A_444, %add3A_447, %select_n3A_368 : vector<16xi1>, vector<16xi32>
        %lt3A_449 = arith.cmpf olt, %gather3A_413, %get3A_132 : vector<16xf32>
        %add3A_450 = arith.constant 4 : i32
        %add3A_451 = vector.broadcast %add3A_450 : i32 to vector<16xi32>
        %add3A_452 = arith.addi %select_n3A_373, %add3A_451 : vector<16xi32>
        %select_n3A_453 = arith.select %lt3A_449, %add3A_452, %select_n3A_373 : vector<16xi1>, vector<16xi32>
        %lt3A_454 = arith.cmpf olt, %gather3A_418, %get3A_135 : vector<16xf32>
        %add3A_455 = arith.constant 4 : i32
        %add3A_456 = vector.broadcast %add3A_455 : i32 to vector<16xi32>
        %add3A_457 = arith.addi %select_n3A_378, %add3A_456 : vector<16xi32>
        %select_n3A_458 = arith.select %lt3A_454, %add3A_457, %select_n3A_378 : vector<16xi1>, vector<16xi32>
        %lt3A_459 = arith.cmpf olt, %gather3A_423, %get3A_138 : vector<16xf32>
        %add3A_460 = arith.constant 4 : i32
        %add3A_461 = vector.broadcast %add3A_460 : i32 to vector<16xi32>
        %add3A_462 = arith.addi %select_n3A_383, %add3A_461 : vector<16xi32>
        %select_n3A_463 = arith.select %lt3A_459, %add3A_462, %select_n3A_383 : vector<16xi1>, vector<16xi32>
        %lt3A_464 = arith.cmpf olt, %gather3A_428, %get3A_141 : vector<16xf32>
        %add3A_465 = arith.constant 4 : i32
        %add3A_466 = vector.broadcast %add3A_465 : i32 to vector<16xi32>
        %add3A_467 = arith.addi %select_n3A_388, %add3A_466 : vector<16xi32>
        %select_n3A_468 = arith.select %lt3A_464, %add3A_467, %select_n3A_388 : vector<16xi1>, vector<16xi32>
        %lt3A_469 = arith.cmpf olt, %gather3A_433, %get3A_144 : vector<16xf32>
        %add3A_470 = arith.constant 4 : i32
        %add3A_471 = vector.broadcast %add3A_470 : i32 to vector<16xi32>
        %add3A_472 = arith.addi %select_n3A_393, %add3A_471 : vector<16xi32>
        %select_n3A_473 = arith.select %lt3A_469, %add3A_472, %select_n3A_393 : vector<16xi1>, vector<16xi32>
        %lt3A_474 = arith.cmpf olt, %gather3A_438, %get3A_147 : vector<16xf32>
        %add3A_475 = arith.constant 4 : i32
        %add3A_476 = vector.broadcast %add3A_475 : i32 to vector<16xi32>
        %add3A_477 = arith.addi %select_n3A_398, %add3A_476 : vector<16xi32>
        %select_n3A_478 = arith.select %lt3A_474, %add3A_477, %select_n3A_398 : vector<16xi1>, vector<16xi32>
        %lt3A_479 = arith.cmpf olt, %gather3A_443, %get3A_150 : vector<16xf32>
        %add3A_480 = arith.constant 4 : i32
        %add3A_481 = vector.broadcast %add3A_480 : i32 to vector<16xi32>
        %add3A_482 = arith.addi %select_n3A_403, %add3A_481 : vector<16xi32>
        %select_n3A_483 = arith.select %lt3A_479, %add3A_482, %select_n3A_403 : vector<16xi1>, vector<16xi32>
        %add3A_484 = arith.constant 1 : i32
        %add3A_485 = vector.broadcast %add3A_484 : i32 to vector<16xi32>
        %add3A_486 = arith.addi %select_n3A_448, %add3A_485 : vector<16xi32>
        %add3A_487 = arith.addi %mul3A_12, %add3A_486 : vector<16xi32>
        %gather3A_488 = tpu.vector_load_idx %arg6[%add3A_487] : memref<8192xf32, #tpu.memory_space<vmem>>[vector<16xi32>], vector<16xf32>,
        %add3A_489 = arith.constant 1 : i32
        %add3A_490 = vector.broadcast %add3A_489 : i32 to vector<16xi32>
        %add3A_491 = arith.addi %select_n3A_453, %add3A_490 : vector<16xi32>
        %add3A_492 = arith.addi %mul3A_18, %add3A_491 : vector<16xi32>
        %gather3A_493 = tpu.vector_load_idx %arg6[%add3A_492] : memref<8192xf32, #tpu.memory_space<vmem>>[vector<16xi32>], vector<16xf32>,
        %add3A_494 = arith.constant 1 : i32
        %add3A_495 = vector.broadcast %add3A_494 : i32 to vector<16xi32>
        %add3A_496 = arith.addi %select_n3A_458, %add3A_495 : vector<16xi32>
        %add3A_497 = arith.addi %mul3A_24, %add3A_496 : vector<16xi32>
        %gather3A_498 = tpu.vector_load_idx %arg6[%add3A_497] : memref<8192xf32, #tpu.memory_space<vmem>>[vector<16xi32>], vector<16xf32>,
        %add3A_499 = arith.constant 1 : i32
        %add3A_500 = vector.broadcast %add3A_499 : i32 to vector<16xi32>
        %add3A_501 = arith.addi %select_n3A_463, %add3A_500 : vector<16xi32>
        %add3A_502 = arith.addi %mul3A_30, %add3A_501 : vector<16xi32>
        %gather3A_503 = tpu.vector_load_idx %arg6[%add3A_502] : memref<8192xf32, #tpu.memory_space<vmem>>[vector<16xi32>], vector<16xf32>,
        %add3A_504 = arith.constant 1 : i32
        %add3A_505 = vector.broadcast %add3A_504 : i32 to vector<16xi32>
        %add3A_506 = arith.addi %select_n3A_468, %add3A_505 : vector<16xi32>
        %add3A_507 = arith.addi %mul3A_36, %add3A_506 : vector<16xi32>
        %gather3A_508 = tpu.vector_load_idx %arg6[%add3A_507] : memref<8192xf32, #tpu.memory_space<vmem>>[vector<16xi32>], vector<16xf32>,
        %add3A_509 = arith.constant 1 : i32
        %add3A_510 = vector.broadcast %add3A_509 : i32 to vector<16xi32>
        %add3A_511 = arith.addi %select_n3A_473, %add3A_510 : vector<16xi32>
        %add3A_512 = arith.addi %mul3A_42, %add3A_511 : vector<16xi32>
        %gather3A_513 = tpu.vector_load_idx %arg6[%add3A_512] : memref<8192xf32, #tpu.memory_space<vmem>>[vector<16xi32>], vector<16xf32>,
        %add3A_514 = arith.constant 1 : i32
        %add3A_515 = vector.broadcast %add3A_514 : i32 to vector<16xi32>
        %add3A_516 = arith.addi %select_n3A_478, %add3A_515 : vector<16xi32>
        %add3A_517 = arith.addi %mul3A_48, %add3A_516 : vector<16xi32>
        %gather3A_518 = tpu.vector_load_idx %arg6[%add3A_517] : memref<8192xf32, #tpu.memory_space<vmem>>[vector<16xi32>], vector<16xf32>,
        %add3A_519 = arith.constant 1 : i32
        %add3A_520 = vector.broadcast %add3A_519 : i32 to vector<16xi32>
        %add3A_521 = arith.addi %select_n3A_483, %add3A_520 : vector<16xi32>
        %add3A_522 = arith.addi %mul3A_54, %add3A_521 : vector<16xi32>
        %gather3A_523 = tpu.vector_load_idx %arg6[%add3A_522] : memref<8192xf32, #tpu.memory_space<vmem>>[vector<16xi32>], vector<16xf32>,
        %lt3A_524 = arith.cmpf olt, %gather3A_488, %get3A_129 : vector<16xf32>
        %add3A_525 = arith.constant 2 : i32
        %add3A_526 = vector.broadcast %add3A_525 : i32 to vector<16xi32>
        %add3A_527 = arith.addi %select_n3A_448, %add3A_526 : vector<16xi32>
        %select_n3A_528 = arith.select %lt3A_524, %add3A_527, %select_n3A_448 : vector<16xi1>, vector<16xi32>
        %lt3A_529 = arith.cmpf olt, %gather3A_493, %get3A_132 : vector<16xf32>
        %add3A_530 = arith.constant 2 : i32
        %add3A_531 = vector.broadcast %add3A_530 : i32 to vector<16xi32>
        %add3A_532 = arith.addi %select_n3A_453, %add3A_531 : vector<16xi32>
        %select_n3A_533 = arith.select %lt3A_529, %add3A_532, %select_n3A_453 : vector<16xi1>, vector<16xi32>
        %lt3A_534 = arith.cmpf olt, %gather3A_498, %get3A_135 : vector<16xf32>
        %add3A_535 = arith.constant 2 : i32
        %add3A_536 = vector.broadcast %add3A_535 : i32 to vector<16xi32>
        %add3A_537 = arith.addi %select_n3A_458, %add3A_536 : vector<16xi32>
        %select_n3A_538 = arith.select %lt3A_534, %add3A_537, %select_n3A_458 : vector<16xi1>, vector<16xi32>
        %lt3A_539 = arith.cmpf olt, %gather3A_503, %get3A_138 : vector<16xf32>
        %add3A_540 = arith.constant 2 : i32
        %add3A_541 = vector.broadcast %add3A_540 : i32 to vector<16xi32>
        %add3A_542 = arith.addi %select_n3A_463, %add3A_541 : vector<16xi32>
        %select_n3A_543 = arith.select %lt3A_539, %add3A_542, %select_n3A_463 : vector<16xi1>, vector<16xi32>
        %lt3A_544 = arith.cmpf olt, %gather3A_508, %get3A_141 : vector<16xf32>
        %add3A_545 = arith.constant 2 : i32
        %add3A_546 = vector.broadcast %add3A_545 : i32 to vector<16xi32>
        %add3A_547 = arith.addi %select_n3A_468, %add3A_546 : vector<16xi32>
        %select_n3A_548 = arith.select %lt3A_544, %add3A_547, %select_n3A_468 : vector<16xi1>, vector<16xi32>
        %lt3A_549 = arith.cmpf olt, %gather3A_513, %get3A_144 : vector<16xf32>
        %add3A_550 = arith.constant 2 : i32
        %add3A_551 = vector.broadcast %add3A_550 : i32 to vector<16xi32>
        %add3A_552 = arith.addi %select_n3A_473, %add3A_551 : vector<16xi32>
        %select_n3A_553 = arith.select %lt3A_549, %add3A_552, %select_n3A_473 : vector<16xi1>, vector<16xi32>
        %lt3A_554 = arith.cmpf olt, %gather3A_518, %get3A_147 : vector<16xf32>
        %add3A_555 = arith.constant 2 : i32
        %add3A_556 = vector.broadcast %add3A_555 : i32 to vector<16xi32>
        %add3A_557 = arith.addi %select_n3A_478, %add3A_556 : vector<16xi32>
        %select_n3A_558 = arith.select %lt3A_554, %add3A_557, %select_n3A_478 : vector<16xi1>, vector<16xi32>
        %lt3A_559 = arith.cmpf olt, %gather3A_523, %get3A_150 : vector<16xf32>
        %add3A_560 = arith.constant 2 : i32
        %add3A_561 = vector.broadcast %add3A_560 : i32 to vector<16xi32>
        %add3A_562 = arith.addi %select_n3A_483, %add3A_561 : vector<16xi32>
        %select_n3A_563 = arith.select %lt3A_559, %add3A_562, %select_n3A_483 : vector<16xi1>, vector<16xi32>
        %add3A_564 = arith.constant 0 : i32
        %add3A_565 = vector.broadcast %add3A_564 : i32 to vector<16xi32>
        %add3A_566 = arith.addi %select_n3A_528, %add3A_565 : vector<16xi32>
        %add3A_567 = arith.addi %mul3A_12, %add3A_566 : vector<16xi32>
        %gather3A_568 = tpu.vector_load_idx %arg6[%add3A_567] : memref<8192xf32, #tpu.memory_space<vmem>>[vector<16xi32>], vector<16xf32>,
        %add3A_569 = arith.constant 0 : i32
        %add3A_570 = vector.broadcast %add3A_569 : i32 to vector<16xi32>
        %add3A_571 = arith.addi %select_n3A_533, %add3A_570 : vector<16xi32>
        %add3A_572 = arith.addi %mul3A_18, %add3A_571 : vector<16xi32>
        %gather3A_573 = tpu.vector_load_idx %arg6[%add3A_572] : memref<8192xf32, #tpu.memory_space<vmem>>[vector<16xi32>], vector<16xf32>,
        %add3A_574 = arith.constant 0 : i32
        %add3A_575 = vector.broadcast %add3A_574 : i32 to vector<16xi32>
        %add3A_576 = arith.addi %select_n3A_538, %add3A_575 : vector<16xi32>
        %add3A_577 = arith.addi %mul3A_24, %add3A_576 : vector<16xi32>
        %gather3A_578 = tpu.vector_load_idx %arg6[%add3A_577] : memref<8192xf32, #tpu.memory_space<vmem>>[vector<16xi32>], vector<16xf32>,
        %add3A_579 = arith.constant 0 : i32
        %add3A_580 = vector.broadcast %add3A_579 : i32 to vector<16xi32>
        %add3A_581 = arith.addi %select_n3A_543, %add3A_580 : vector<16xi32>
        %add3A_582 = arith.addi %mul3A_30, %add3A_581 : vector<16xi32>
        %gather3A_583 = tpu.vector_load_idx %arg6[%add3A_582] : memref<8192xf32, #tpu.memory_space<vmem>>[vector<16xi32>], vector<16xf32>,
        %add3A_584 = arith.constant 0 : i32
        %add3A_585 = vector.broadcast %add3A_584 : i32 to vector<16xi32>
        %add3A_586 = arith.addi %select_n3A_548, %add3A_585 : vector<16xi32>
        %add3A_587 = arith.addi %mul3A_36, %add3A_586 : vector<16xi32>
        %gather3A_588 = tpu.vector_load_idx %arg6[%add3A_587] : memref<8192xf32, #tpu.memory_space<vmem>>[vector<16xi32>], vector<16xf32>,
        %add3A_589 = arith.constant 0 : i32
        %add3A_590 = vector.broadcast %add3A_589 : i32 to vector<16xi32>
        %add3A_591 = arith.addi %select_n3A_553, %add3A_590 : vector<16xi32>
        %add3A_592 = arith.addi %mul3A_42, %add3A_591 : vector<16xi32>
        %gather3A_593 = tpu.vector_load_idx %arg6[%add3A_592] : memref<8192xf32, #tpu.memory_space<vmem>>[vector<16xi32>], vector<16xf32>,
        %add3A_594 = arith.constant 0 : i32
        %add3A_595 = vector.broadcast %add3A_594 : i32 to vector<16xi32>
        %add3A_596 = arith.addi %select_n3A_558, %add3A_595 : vector<16xi32>
        %add3A_597 = arith.addi %mul3A_48, %add3A_596 : vector<16xi32>
        %gather3A_598 = tpu.vector_load_idx %arg6[%add3A_597] : memref<8192xf32, #tpu.memory_space<vmem>>[vector<16xi32>], vector<16xf32>,
        %add3A_599 = arith.constant 0 : i32
        %add3A_600 = vector.broadcast %add3A_599 : i32 to vector<16xi32>
        %add3A_601 = arith.addi %select_n3A_563, %add3A_600 : vector<16xi32>
        %add3A_602 = arith.addi %mul3A_54, %add3A_601 : vector<16xi32>
        %gather3A_603 = tpu.vector_load_idx %arg6[%add3A_602] : memref<8192xf32, #tpu.memory_space<vmem>>[vector<16xi32>], vector<16xf32>,
        %lt3A_604 = arith.cmpf olt, %gather3A_568, %get3A_129 : vector<16xf32>
        %add3A_605 = arith.constant 1 : i32
        %add3A_606 = vector.broadcast %add3A_605 : i32 to vector<16xi32>
        %add3A_607 = arith.addi %select_n3A_528, %add3A_606 : vector<16xi32>
        %select_n3A_608 = arith.select %lt3A_604, %add3A_607, %select_n3A_528 : vector<16xi1>, vector<16xi32>
        %lt3A_609 = arith.cmpf olt, %gather3A_573, %get3A_132 : vector<16xf32>
        %add3A_610 = arith.constant 1 : i32
        %add3A_611 = vector.broadcast %add3A_610 : i32 to vector<16xi32>
        %add3A_612 = arith.addi %select_n3A_533, %add3A_611 : vector<16xi32>
        %select_n3A_613 = arith.select %lt3A_609, %add3A_612, %select_n3A_533 : vector<16xi1>, vector<16xi32>
        %lt3A_614 = arith.cmpf olt, %gather3A_578, %get3A_135 : vector<16xf32>
        %add3A_615 = arith.constant 1 : i32
        %add3A_616 = vector.broadcast %add3A_615 : i32 to vector<16xi32>
        %add3A_617 = arith.addi %select_n3A_538, %add3A_616 : vector<16xi32>
        %select_n3A_618 = arith.select %lt3A_614, %add3A_617, %select_n3A_538 : vector<16xi1>, vector<16xi32>
        %lt3A_619 = arith.cmpf olt, %gather3A_583, %get3A_138 : vector<16xf32>
        %add3A_620 = arith.constant 1 : i32
        %add3A_621 = vector.broadcast %add3A_620 : i32 to vector<16xi32>
        %add3A_622 = arith.addi %select_n3A_543, %add3A_621 : vector<16xi32>
        %select_n3A_623 = arith.select %lt3A_619, %add3A_622, %select_n3A_543 : vector<16xi1>, vector<16xi32>
        %lt3A_624 = arith.cmpf olt, %gather3A_588, %get3A_141 : vector<16xf32>
        %add3A_625 = arith.constant 1 : i32
        %add3A_626 = vector.broadcast %add3A_625 : i32 to vector<16xi32>
        %add3A_627 = arith.addi %select_n3A_548, %add3A_626 : vector<16xi32>
        %select_n3A_628 = arith.select %lt3A_624, %add3A_627, %select_n3A_548 : vector<16xi1>, vector<16xi32>
        %lt3A_629 = arith.cmpf olt, %gather3A_593, %get3A_144 : vector<16xf32>
        %add3A_630 = arith.constant 1 : i32
        %add3A_631 = vector.broadcast %add3A_630 : i32 to vector<16xi32>
        %add3A_632 = arith.addi %select_n3A_553, %add3A_631 : vector<16xi32>
        %select_n3A_633 = arith.select %lt3A_629, %add3A_632, %select_n3A_553 : vector<16xi1>, vector<16xi32>
        %lt3A_634 = arith.cmpf olt, %gather3A_598, %get3A_147 : vector<16xf32>
        %add3A_635 = arith.constant 1 : i32
        %add3A_636 = vector.broadcast %add3A_635 : i32 to vector<16xi32>
        %add3A_637 = arith.addi %select_n3A_558, %add3A_636 : vector<16xi32>
        %select_n3A_638 = arith.select %lt3A_634, %add3A_637, %select_n3A_558 : vector<16xi1>, vector<16xi32>
        %lt3A_639 = arith.cmpf olt, %gather3A_603, %get3A_150 : vector<16xf32>
        %add3A_640 = arith.constant 1 : i32
        %add3A_641 = vector.broadcast %add3A_640 : i32 to vector<16xi32>
        %add3A_642 = arith.addi %select_n3A_563, %add3A_641 : vector<16xi32>
        %select_n3A_643 = arith.select %lt3A_639, %add3A_642, %select_n3A_563 : vector<16xi1>, vector<16xi32>
        %sub3A = arith.constant 1 : i32
        %sub3A_644 = vector.broadcast %sub3A : i32 to vector<16xi32>
        %sub3A_645 = arith.subi %select_n3A_608, %sub3A_644 : vector<16xi32>
        %max3A = arith.constant 0 : i32
        %max3A_646 = vector.broadcast %max3A : i32 to vector<16xi32>
        %max3A_647 = arith.maxsi %sub3A_645, %max3A_646 : vector<16xi32>
        %add3A_648 = arith.addi %mul3A_12, %max3A_647 : vector<16xi32>
        %sub3A_649 = arith.constant 1 : i32
        %sub3A_650 = vector.broadcast %sub3A_649 : i32 to vector<16xi32>
        %sub3A_651 = arith.subi %select_n3A_613, %sub3A_650 : vector<16xi32>
        %max3A_652 = arith.constant 0 : i32
        %max3A_653 = vector.broadcast %max3A_652 : i32 to vector<16xi32>
        %max3A_654 = arith.maxsi %sub3A_651, %max3A_653 : vector<16xi32>
        %add3A_655 = arith.addi %mul3A_18, %max3A_654 : vector<16xi32>
        %sub3A_656 = arith.constant 1 : i32
        %sub3A_657 = vector.broadcast %sub3A_656 : i32 to vector<16xi32>
        %sub3A_658 = arith.subi %select_n3A_618, %sub3A_657 : vector<16xi32>
        %max3A_659 = arith.constant 0 : i32
        %max3A_660 = vector.broadcast %max3A_659 : i32 to vector<16xi32>
        %max3A_661 = arith.maxsi %sub3A_658, %max3A_660 : vector<16xi32>
        %add3A_662 = arith.addi %mul3A_24, %max3A_661 : vector<16xi32>
        %sub3A_663 = arith.constant 1 : i32
        %sub3A_664 = vector.broadcast %sub3A_663 : i32 to vector<16xi32>
        %sub3A_665 = arith.subi %select_n3A_623, %sub3A_664 : vector<16xi32>
        %max3A_666 = arith.constant 0 : i32
        %max3A_667 = vector.broadcast %max3A_666 : i32 to vector<16xi32>
        %max3A_668 = arith.maxsi %sub3A_665, %max3A_667 : vector<16xi32>
        %add3A_669 = arith.addi %mul3A_30, %max3A_668 : vector<16xi32>
        %sub3A_670 = arith.constant 1 : i32
        %sub3A_671 = vector.broadcast %sub3A_670 : i32 to vector<16xi32>
        %sub3A_672 = arith.subi %select_n3A_628, %sub3A_671 : vector<16xi32>
        %max3A_673 = arith.constant 0 : i32
        %max3A_674 = vector.broadcast %max3A_673 : i32 to vector<16xi32>
        %max3A_675 = arith.maxsi %sub3A_672, %max3A_674 : vector<16xi32>
        %add3A_676 = arith.addi %mul3A_36, %max3A_675 : vector<16xi32>
        %sub3A_677 = arith.constant 1 : i32
        %sub3A_678 = vector.broadcast %sub3A_677 : i32 to vector<16xi32>
        %sub3A_679 = arith.subi %select_n3A_633, %sub3A_678 : vector<16xi32>
        %max3A_680 = arith.constant 0 : i32
        %max3A_681 = vector.broadcast %max3A_680 : i32 to vector<16xi32>
        %max3A_682 = arith.maxsi %sub3A_679, %max3A_681 : vector<16xi32>
        %add3A_683 = arith.addi %mul3A_42, %max3A_682 : vector<16xi32>
        %sub3A_684 = arith.constant 1 : i32
        %sub3A_685 = vector.broadcast %sub3A_684 : i32 to vector<16xi32>
        %sub3A_686 = arith.subi %select_n3A_638, %sub3A_685 : vector<16xi32>
        %max3A_687 = arith.constant 0 : i32
        %max3A_688 = vector.broadcast %max3A_687 : i32 to vector<16xi32>
        %max3A_689 = arith.maxsi %sub3A_686, %max3A_688 : vector<16xi32>
        %add3A_690 = arith.addi %mul3A_48, %max3A_689 : vector<16xi32>
        %sub3A_691 = arith.constant 1 : i32
        %sub3A_692 = vector.broadcast %sub3A_691 : i32 to vector<16xi32>
        %sub3A_693 = arith.subi %select_n3A_643, %sub3A_692 : vector<16xi32>
        %max3A_694 = arith.constant 0 : i32
        %max3A_695 = vector.broadcast %max3A_694 : i32 to vector<16xi32>
        %max3A_696 = arith.maxsi %sub3A_693, %max3A_695 : vector<16xi32>
        %add3A_697 = arith.addi %mul3A_54, %max3A_696 : vector<16xi32>
        %gather3A_698 = tpu.vector_load_idx %arg6[%add3A_648] : memref<8192xf32, #tpu.memory_space<vmem>>[vector<16xi32>], vector<16xf32>,
        %gather3A_699 = tpu.vector_load_idx %arg6[%add3A_655] : memref<8192xf32, #tpu.memory_space<vmem>>[vector<16xi32>], vector<16xf32>,
        %gather3A_700 = tpu.vector_load_idx %arg6[%add3A_662] : memref<8192xf32, #tpu.memory_space<vmem>>[vector<16xi32>], vector<16xf32>,
        %gather3A_701 = tpu.vector_load_idx %arg6[%add3A_669] : memref<8192xf32, #tpu.memory_space<vmem>>[vector<16xi32>], vector<16xf32>,
        %gather3A_702 = tpu.vector_load_idx %arg6[%add3A_676] : memref<8192xf32, #tpu.memory_space<vmem>>[vector<16xi32>], vector<16xf32>,
        %gather3A_703 = tpu.vector_load_idx %arg6[%add3A_683] : memref<8192xf32, #tpu.memory_space<vmem>>[vector<16xi32>], vector<16xf32>,
        %gather3A_704 = tpu.vector_load_idx %arg6[%add3A_690] : memref<8192xf32, #tpu.memory_space<vmem>>[vector<16xi32>], vector<16xf32>,
        %gather3A_705 = tpu.vector_load_idx %arg6[%add3A_697] : memref<8192xf32, #tpu.memory_space<vmem>>[vector<16xi32>], vector<16xf32>,
        %add3A_706 = arith.constant 1 : i32
        %add3A_707 = vector.broadcast %add3A_706 : i32 to vector<16xi32>
        %add3A_708 = arith.addi %add3A_648, %add3A_707 : vector<16xi32>
        %gather3A_709 = tpu.vector_load_idx %arg6[%add3A_708] : memref<8192xf32, #tpu.memory_space<vmem>>[vector<16xi32>], vector<16xf32>,
        %add3A_710 = arith.constant 1 : i32
        %add3A_711 = vector.broadcast %add3A_710 : i32 to vector<16xi32>
        %add3A_712 = arith.addi %add3A_655, %add3A_711 : vector<16xi32>
        %gather3A_713 = tpu.vector_load_idx %arg6[%add3A_712] : memref<8192xf32, #tpu.memory_space<vmem>>[vector<16xi32>], vector<16xf32>,
        %add3A_714 = arith.constant 1 : i32
        %add3A_715 = vector.broadcast %add3A_714 : i32 to vector<16xi32>
        %add3A_716 = arith.addi %add3A_662, %add3A_715 : vector<16xi32>
        %gather3A_717 = tpu.vector_load_idx %arg6[%add3A_716] : memref<8192xf32, #tpu.memory_space<vmem>>[vector<16xi32>], vector<16xf32>,
        %add3A_718 = arith.constant 1 : i32
        %add3A_719 = vector.broadcast %add3A_718 : i32 to vector<16xi32>
        %add3A_720 = arith.addi %add3A_669, %add3A_719 : vector<16xi32>
        %gather3A_721 = tpu.vector_load_idx %arg6[%add3A_720] : memref<8192xf32, #tpu.memory_space<vmem>>[vector<16xi32>], vector<16xf32>,
        %add3A_722 = arith.constant 1 : i32
        %add3A_723 = vector.broadcast %add3A_722 : i32 to vector<16xi32>
        %add3A_724 = arith.addi %add3A_676, %add3A_723 : vector<16xi32>
        %gather3A_725 = tpu.vector_load_idx %arg6[%add3A_724] : memref<8192xf32, #tpu.memory_space<vmem>>[vector<16xi32>], vector<16xf32>,
        %add3A_726 = arith.constant 1 : i32
        %add3A_727 = vector.broadcast %add3A_726 : i32 to vector<16xi32>
        %add3A_728 = arith.addi %add3A_683, %add3A_727 : vector<16xi32>
        %gather3A_729 = tpu.vector_load_idx %arg6[%add3A_728] : memref<8192xf32, #tpu.memory_space<vmem>>[vector<16xi32>], vector<16xf32>,
        %add3A_730 = arith.constant 1 : i32
        %add3A_731 = vector.broadcast %add3A_730 : i32 to vector<16xi32>
        %add3A_732 = arith.addi %add3A_690, %add3A_731 : vector<16xi32>
        %gather3A_733 = tpu.vector_load_idx %arg6[%add3A_732] : memref<8192xf32, #tpu.memory_space<vmem>>[vector<16xi32>], vector<16xf32>,
        %add3A_734 = arith.constant 1 : i32
        %add3A_735 = vector.broadcast %add3A_734 : i32 to vector<16xi32>
        %add3A_736 = arith.addi %add3A_697, %add3A_735 : vector<16xi32>
        %gather3A_737 = tpu.vector_load_idx %arg6[%add3A_736] : memref<8192xf32, #tpu.memory_space<vmem>>[vector<16xi32>], vector<16xf32>,
        %gather3A_738 = tpu.vector_load_idx %arg7[%add3A_648] : memref<8192xf32, #tpu.memory_space<vmem>>[vector<16xi32>], vector<16xf32>,
        %gather3A_739 = tpu.vector_load_idx %arg7[%add3A_655] : memref<8192xf32, #tpu.memory_space<vmem>>[vector<16xi32>], vector<16xf32>,
        %gather3A_740 = tpu.vector_load_idx %arg7[%add3A_662] : memref<8192xf32, #tpu.memory_space<vmem>>[vector<16xi32>], vector<16xf32>,
        %gather3A_741 = tpu.vector_load_idx %arg7[%add3A_669] : memref<8192xf32, #tpu.memory_space<vmem>>[vector<16xi32>], vector<16xf32>,
        %gather3A_742 = tpu.vector_load_idx %arg7[%add3A_676] : memref<8192xf32, #tpu.memory_space<vmem>>[vector<16xi32>], vector<16xf32>,
        %gather3A_743 = tpu.vector_load_idx %arg7[%add3A_683] : memref<8192xf32, #tpu.memory_space<vmem>>[vector<16xi32>], vector<16xf32>,
        %gather3A_744 = tpu.vector_load_idx %arg7[%add3A_690] : memref<8192xf32, #tpu.memory_space<vmem>>[vector<16xi32>], vector<16xf32>,
        %gather3A_745 = tpu.vector_load_idx %arg7[%add3A_697] : memref<8192xf32, #tpu.memory_space<vmem>>[vector<16xi32>], vector<16xf32>,
        %add3A_746 = arith.constant 1 : i32
        %add3A_747 = vector.broadcast %add3A_746 : i32 to vector<16xi32>
        %add3A_748 = arith.addi %add3A_648, %add3A_747 : vector<16xi32>
        %gather3A_749 = tpu.vector_load_idx %arg7[%add3A_748] : memref<8192xf32, #tpu.memory_space<vmem>>[vector<16xi32>], vector<16xf32>,
        %add3A_750 = arith.constant 1 : i32
        %add3A_751 = vector.broadcast %add3A_750 : i32 to vector<16xi32>
        %add3A_752 = arith.addi %add3A_655, %add3A_751 : vector<16xi32>
        %gather3A_753 = tpu.vector_load_idx %arg7[%add3A_752] : memref<8192xf32, #tpu.memory_space<vmem>>[vector<16xi32>], vector<16xf32>,
        %add3A_754 = arith.constant 1 : i32
        %add3A_755 = vector.broadcast %add3A_754 : i32 to vector<16xi32>
        %add3A_756 = arith.addi %add3A_662, %add3A_755 : vector<16xi32>
        %gather3A_757 = tpu.vector_load_idx %arg7[%add3A_756] : memref<8192xf32, #tpu.memory_space<vmem>>[vector<16xi32>], vector<16xf32>,
        %add3A_758 = arith.constant 1 : i32
        %add3A_759 = vector.broadcast %add3A_758 : i32 to vector<16xi32>
        %add3A_760 = arith.addi %add3A_669, %add3A_759 : vector<16xi32>
        %gather3A_761 = tpu.vector_load_idx %arg7[%add3A_760] : memref<8192xf32, #tpu.memory_space<vmem>>[vector<16xi32>], vector<16xf32>,
        %add3A_762 = arith.constant 1 : i32
        %add3A_763 = vector.broadcast %add3A_762 : i32 to vector<16xi32>
        %add3A_764 = arith.addi %add3A_676, %add3A_763 : vector<16xi32>
        %gather3A_765 = tpu.vector_load_idx %arg7[%add3A_764] : memref<8192xf32, #tpu.memory_space<vmem>>[vector<16xi32>], vector<16xf32>,
        %add3A_766 = arith.constant 1 : i32
        %add3A_767 = vector.broadcast %add3A_766 : i32 to vector<16xi32>
        %add3A_768 = arith.addi %add3A_683, %add3A_767 : vector<16xi32>
        %gather3A_769 = tpu.vector_load_idx %arg7[%add3A_768] : memref<8192xf32, #tpu.memory_space<vmem>>[vector<16xi32>], vector<16xf32>,
        %add3A_770 = arith.constant 1 : i32
        %add3A_771 = vector.broadcast %add3A_770 : i32 to vector<16xi32>
        %add3A_772 = arith.addi %add3A_690, %add3A_771 : vector<16xi32>
        %gather3A_773 = tpu.vector_load_idx %arg7[%add3A_772] : memref<8192xf32, #tpu.memory_space<vmem>>[vector<16xi32>], vector<16xf32>,
        %add3A_774 = arith.constant 1 : i32
        %add3A_775 = vector.broadcast %add3A_774 : i32 to vector<16xi32>
        %add3A_776 = arith.addi %add3A_697, %add3A_775 : vector<16xi32>
        %gather3A_777 = tpu.vector_load_idx %arg7[%add3A_776] : memref<8192xf32, #tpu.memory_space<vmem>>[vector<16xi32>], vector<16xf32>,
        %sub3A_778 = arith.subf %get3A_129, %gather3A_698 : vector<16xf32>
        %sub3A_779 = arith.subf %gather3A_709, %gather3A_698 : vector<16xf32>
        %add3A_780 = arith.constant 9.99999997E-7 : f32
        %add3A_781 = vector.broadcast %add3A_780 : f32 to vector<16xf32>
        %add3A_782 = arith.addf %sub3A_779, %add3A_781 : vector<16xf32>
        %div3A = arith.divf %sub3A_778, %add3A_782 : vector<16xf32>
        %sub3A_783 = arith.subf %gather3A_749, %gather3A_738 : vector<16xf32>
        %mul3A_784 = arith.mulf %div3A, %sub3A_783 : vector<16xf32>
        %add3A_785 = arith.addf %gather3A_738, %mul3A_784 : vector<16xf32>
        %swap3A = arith.index_cast %scan3A_127 : i32 to index
        %swap3A_786 = arith.constant 0 : index
        %swap3A_787 = tpu.vector_load %arg11[%swap3A, %swap3A_786] {strides = array<i32>} : memref<128x128xf32, #tpu.memory_space<vmem>>, vector<16xf32>,
        tpu.vector_store %arg11[%swap3A, %swap3A_786], %add3A_785 {strides = array<i32>} : memref<128x128xf32, #tpu.memory_space<vmem>>, vector<16xf32>,
        %sub3A_788 = arith.subf %get3A_132, %gather3A_699 : vector<16xf32>
        %sub3A_789 = arith.subf %gather3A_713, %gather3A_699 : vector<16xf32>
        %add3A_790 = arith.constant 9.99999997E-7 : f32
        %add3A_791 = vector.broadcast %add3A_790 : f32 to vector<16xf32>
        %add3A_792 = arith.addf %sub3A_789, %add3A_791 : vector<16xf32>
        %div3A_793 = arith.divf %sub3A_788, %add3A_792 : vector<16xf32>
        %sub3A_794 = arith.subf %gather3A_753, %gather3A_739 : vector<16xf32>
        %mul3A_795 = arith.mulf %div3A_793, %sub3A_794 : vector<16xf32>
        %add3A_796 = arith.addf %gather3A_739, %mul3A_795 : vector<16xf32>
        %swap3A_797 = arith.index_cast %scan3A_127 : i32 to index
        %swap3A_798 = arith.constant 16 : index
        %swap3A_799 = tpu.vector_load %arg11[%swap3A_797, %swap3A_798] {strides = array<i32>} : memref<128x128xf32, #tpu.memory_space<vmem>>, vector<16xf32>,
        tpu.vector_store %arg11[%swap3A_797, %swap3A_798], %add3A_796 {strides = array<i32>} : memref<128x128xf32, #tpu.memory_space<vmem>>, vector<16xf32>,
        %sub3A_800 = arith.subf %get3A_135, %gather3A_700 : vector<16xf32>
        %sub3A_801 = arith.subf %gather3A_717, %gather3A_700 : vector<16xf32>
        %add3A_802 = arith.constant 9.99999997E-7 : f32
        %add3A_803 = vector.broadcast %add3A_802 : f32 to vector<16xf32>
        %add3A_804 = arith.addf %sub3A_801, %add3A_803 : vector<16xf32>
        %div3A_805 = arith.divf %sub3A_800, %add3A_804 : vector<16xf32>
        %sub3A_806 = arith.subf %gather3A_757, %gather3A_740 : vector<16xf32>
        %mul3A_807 = arith.mulf %div3A_805, %sub3A_806 : vector<16xf32>
        %add3A_808 = arith.addf %gather3A_740, %mul3A_807 : vector<16xf32>
        %swap3A_809 = arith.index_cast %scan3A_127 : i32 to index
        %swap3A_810 = arith.constant 32 : index
        %swap3A_811 = tpu.vector_load %arg11[%swap3A_809, %swap3A_810] {strides = array<i32>} : memref<128x128xf32, #tpu.memory_space<vmem>>, vector<16xf32>,
        tpu.vector_store %arg11[%swap3A_809, %swap3A_810], %add3A_808 {strides = array<i32>} : memref<128x128xf32, #tpu.memory_space<vmem>>, vector<16xf32>,
        %sub3A_812 = arith.subf %get3A_138, %gather3A_701 : vector<16xf32>
        %sub3A_813 = arith.subf %gather3A_721, %gather3A_701 : vector<16xf32>
        %add3A_814 = arith.constant 9.99999997E-7 : f32
        %add3A_815 = vector.broadcast %add3A_814 : f32 to vector<16xf32>
        %add3A_816 = arith.addf %sub3A_813, %add3A_815 : vector<16xf32>
        %div3A_817 = arith.divf %sub3A_812, %add3A_816 : vector<16xf32>
        %sub3A_818 = arith.subf %gather3A_761, %gather3A_741 : vector<16xf32>
        %mul3A_819 = arith.mulf %div3A_817, %sub3A_818 : vector<16xf32>
        %add3A_820 = arith.addf %gather3A_741, %mul3A_819 : vector<16xf32>
        %swap3A_821 = arith.index_cast %scan3A_127 : i32 to index
        %swap3A_822 = arith.constant 48 : index
        %swap3A_823 = tpu.vector_load %arg11[%swap3A_821, %swap3A_822] {strides = array<i32>} : memref<128x128xf32, #tpu.memory_space<vmem>>, vector<16xf32>,
        tpu.vector_store %arg11[%swap3A_821, %swap3A_822], %add3A_820 {strides = array<i32>} : memref<128x128xf32, #tpu.memory_space<vmem>>, vector<16xf32>,
        %sub3A_824 = arith.subf %get3A_141, %gather3A_702 : vector<16xf32>
        %sub3A_825 = arith.subf %gather3A_725, %gather3A_702 : vector<16xf32>
        %add3A_826 = arith.constant 9.99999997E-7 : f32
        %add3A_827 = vector.broadcast %add3A_826 : f32 to vector<16xf32>
        %add3A_828 = arith.addf %sub3A_825, %add3A_827 : vector<16xf32>
        %div3A_829 = arith.divf %sub3A_824, %add3A_828 : vector<16xf32>
        %sub3A_830 = arith.subf %gather3A_765, %gather3A_742 : vector<16xf32>
        %mul3A_831 = arith.mulf %div3A_829, %sub3A_830 : vector<16xf32>
        %add3A_832 = arith.addf %gather3A_742, %mul3A_831 : vector<16xf32>
        %swap3A_833 = arith.index_cast %scan3A_127 : i32 to index
        %swap3A_834 = arith.constant 64 : index
        %swap3A_835 = tpu.vector_load %arg11[%swap3A_833, %swap3A_834] {strides = array<i32>} : memref<128x128xf32, #tpu.memory_space<vmem>>, vector<16xf32>,
        tpu.vector_store %arg11[%swap3A_833, %swap3A_834], %add3A_832 {strides = array<i32>} : memref<128x128xf32, #tpu.memory_space<vmem>>, vector<16xf32>,
        %sub3A_836 = arith.subf %get3A_144, %gather3A_703 : vector<16xf32>
        %sub3A_837 = arith.subf %gather3A_729, %gather3A_703 : vector<16xf32>
        %add3A_838 = arith.constant 9.99999997E-7 : f32
        %add3A_839 = vector.broadcast %add3A_838 : f32 to vector<16xf32>
        %add3A_840 = arith.addf %sub3A_837, %add3A_839 : vector<16xf32>
        %div3A_841 = arith.divf %sub3A_836, %add3A_840 : vector<16xf32>
        %sub3A_842 = arith.subf %gather3A_769, %gather3A_743 : vector<16xf32>
        %mul3A_843 = arith.mulf %div3A_841, %sub3A_842 : vector<16xf32>
        %add3A_844 = arith.addf %gather3A_743, %mul3A_843 : vector<16xf32>
        %swap3A_845 = arith.index_cast %scan3A_127 : i32 to index
        %swap3A_846 = arith.constant 80 : index
        %swap3A_847 = tpu.vector_load %arg11[%swap3A_845, %swap3A_846] {strides = array<i32>} : memref<128x128xf32, #tpu.memory_space<vmem>>, vector<16xf32>,
        tpu.vector_store %arg11[%swap3A_845, %swap3A_846], %add3A_844 {strides = array<i32>} : memref<128x128xf32, #tpu.memory_space<vmem>>, vector<16xf32>,
        %sub3A_848 = arith.subf %get3A_147, %gather3A_704 : vector<16xf32>
        %sub3A_849 = arith.subf %gather3A_733, %gather3A_704 : vector<16xf32>
        %add3A_850 = arith.constant 9.99999997E-7 : f32
        %add3A_851 = vector.broadcast %add3A_850 : f32 to vector<16xf32>
        %add3A_852 = arith.addf %sub3A_849, %add3A_851 : vector<16xf32>
        %div3A_853 = arith.divf %sub3A_848, %add3A_852 : vector<16xf32>
        %sub3A_854 = arith.subf %gather3A_773, %gather3A_744 : vector<16xf32>
        %mul3A_855 = arith.mulf %div3A_853, %sub3A_854 : vector<16xf32>
        %add3A_856 = arith.addf %gather3A_744, %mul3A_855 : vector<16xf32>
        %swap3A_857 = arith.index_cast %scan3A_127 : i32 to index
        %swap3A_858 = arith.constant 96 : index
        %swap3A_859 = tpu.vector_load %arg11[%swap3A_857, %swap3A_858] {strides = array<i32>} : memref<128x128xf32, #tpu.memory_space<vmem>>, vector<16xf32>,
        tpu.vector_store %arg11[%swap3A_857, %swap3A_858], %add3A_856 {strides = array<i32>} : memref<128x128xf32, #tpu.memory_space<vmem>>, vector<16xf32>,
        %sub3A_860 = arith.subf %get3A_150, %gather3A_705 : vector<16xf32>
        %sub3A_861 = arith.subf %gather3A_737, %gather3A_705 : vector<16xf32>
        %add3A_862 = arith.constant 9.99999997E-7 : f32
        %add3A_863 = vector.broadcast %add3A_862 : f32 to vector<16xf32>
        %add3A_864 = arith.addf %sub3A_861, %add3A_863 : vector<16xf32>
        %div3A_865 = arith.divf %sub3A_860, %add3A_864 : vector<16xf32>
        %sub3A_866 = arith.subf %gather3A_777, %gather3A_745 : vector<16xf32>
        %mul3A_867 = arith.mulf %div3A_865, %sub3A_866 : vector<16xf32>
        %add3A_868 = arith.addf %gather3A_745, %mul3A_867 : vector<16xf32>
        %swap3A_869 = arith.index_cast %scan3A_127 : i32 to index
        %swap3A_870 = arith.constant 112 : index
        %swap3A_871 = tpu.vector_load %arg11[%swap3A_869, %swap3A_870] {strides = array<i32>} : memref<128x128xf32, #tpu.memory_space<vmem>>, vector<16xf32>,
        tpu.vector_store %arg11[%swap3A_869, %swap3A_870], %add3A_868 {strides = array<i32>} : memref<128x128xf32, #tpu.memory_space<vmem>>, vector<16xf32>,
      }
      %scan3A_117 = arith.constant 128 : i32
      %mul3A_118 = arith.constant 128 : i32
      %mul3A_119 = arith.muli %add3A_102, %mul3A_118 : i32
      %dma_start3A_120 = tpu.memref_slice %arg5[%mul3A_119, %mul3A_2] : memref<8192x4096xf32, #tpu.memory_space<hbm>> -> memref<128x128xf32, #tpu.memory_space<hbm>>
      %dma_start3A_121 = tpu.memref_slice %arg5[%mul3A_119, %mul3A_2] : memref<8192x4096xf32, #tpu.memory_space<hbm>> -> memref<128x128xf32, #tpu.memory_space<hbm>>
      tpu.enqueue_dma source(%arg11 : memref<128x128xf32, #tpu.memory_space<vmem>>) target(%dma_start3A_121 : memref<128x128xf32, #tpu.memory_space<hbm>>) target_semaphore(%arg15 : memref<!tpu.dma_semaphore, #tpu.memory_space<semaphore_mem>>)
      %lt3A_122 = arith.constant 31 : i32
      %lt3A_123 = arith.cmpi slt, %scan3A_74, %lt3A_122 : i32
      %convert_element_type3A_124 = arith.extui %lt3A_123 : i1 to i32
      %cond3A_125 = arith.constant 0 : i32
      %cond3A_126 = arith.cmpi ne, %convert_element_type3A_124, %cond3A_125 : i32
      scf.if %cond3A_126 {
        %add3A_127 = arith.constant 2 : i32
        %add3A_128 = arith.addi %add3A_102, %add3A_127 : i32
        %mul3A_129 = arith.constant 128 : i32
        %mul3A_130 = arith.muli %add3A_128, %mul3A_129 : i32
        %dma_start3A_131 = tpu.memref_slice %arg2[%mul3A_130, %mul3A_2] : memref<8192x4096xf32, #tpu.memory_space<hbm>> -> memref<128x128xf32, #tpu.memory_space<hbm>>
        %dma_start3A_132 = tpu.memref_slice %arg2[%mul3A_130, %mul3A_2] : memref<8192x4096xf32, #tpu.memory_space<hbm>> -> memref<128x128xf32, #tpu.memory_space<hbm>>
        tpu.enqueue_dma source(%dma_start3A_132 : memref<128x128xf32, #tpu.memory_space<hbm>>) target(%arg9 : memref<128x128xf32, #tpu.memory_space<vmem>>) target_semaphore(%arg13 : memref<!tpu.dma_semaphore, #tpu.memory_space<semaphore_mem>>)
      } else {
      }
    }
    %scan3A_66 = arith.constant 32 : i32
    %dma_wait3A = arith.constant 7936 : i32
    %dma_wait3A_67 = tpu.memref_slice %arg5[%dma_wait3A, %mul3A_2] : memref<8192x4096xf32, #tpu.memory_space<hbm>> -> memref<128x128xf32, #tpu.memory_space<hbm>>
    %dma_wait3A_68 = arith.constant 7936 : i32
    %dma_wait3A_69 = tpu.memref_slice %arg5[%dma_wait3A_68, %mul3A_2] : memref<8192x4096xf32, #tpu.memory_space<hbm>> -> memref<128x128xf32, #tpu.memory_space<hbm>>
    tpu.wait_dma2 semaphore(%arg14 : memref<!tpu.dma_semaphore, #tpu.memory_space<semaphore_mem>>) src(%arg10 : memref<128x128xf32, #tpu.memory_space<vmem>>) dst(%dma_wait3A_69 : memref<128x128xf32, #tpu.memory_space<hbm>>)
    %dma_wait3A_70 = arith.constant 8064 : i32
    %dma_wait3A_71 = tpu.memref_slice %arg5[%dma_wait3A_70, %mul3A_2] : memref<8192x4096xf32, #tpu.memory_space<hbm>> -> memref<128x128xf32, #tpu.memory_space<hbm>>
    %dma_wait3A_72 = arith.constant 8064 : i32
    %dma_wait3A_73 = tpu.memref_slice %arg5[%dma_wait3A_72, %mul3A_2] : memref<8192x4096xf32, #tpu.memory_space<hbm>> -> memref<128x128xf32, #tpu.memory_space<hbm>>
    tpu.wait_dma2 semaphore(%arg15 : memref<!tpu.dma_semaphore, #tpu.memory_space<semaphore_mem>>) src(%arg11 : memref<128x128xf32, #tpu.memory_space<vmem>>) dst(%dma_wait3A_73 : memref<128x128xf32, #tpu.memory_space<hbm>>)
    return
  }
}

</mosaic_0001>

<sc_bundles>
// kernel: kernel.3.cloned.1.call-start
scs
__scs_entry_jumppad:
0x0: {  	(pc) =	sbr.rel $0x88, $3  }
0x1: {  	(tag) =	ssettag $0x0;
	lr =	simm.s32 $0x1  }
0x2: {  	[smem:$0x3F9E] =	sst lr;
	_ =	strace $0xD0000000  }
0x3: {  	_ = 	snop  }
0x4: {  	_ = 	snop  }
0x5: {  	_ = 	snop  }
0x6: {  	_ = 	snop  }
0x7: {  	_ = 	snop  }
__scs_overlays_trampoline_lowered:
0x8: {  	[smem:$0x3FAD] =	sst s0  }
0x9: {  	[smem:$0x3FAE] =	sst s1  }
0xa: {  	[smem:$0x3FAF] =	sst s2  }
0xb: {  	[smem:$0x3FB0] =	sst s3  }
0xc: {  	[smem:$0x3FB1] =	sst s4  }
0xd: {  	[smem:$0x3FB2] =	sst s5  }
0xe: {  	[smem:$0x3FB3] =	sst s6  }
0xf: {  	[smem:$0x3FB4] =	sst s7  }
0x10: {  	[smem:$0x3FB5] =	sst s8  }
0x11: {  	[smem:$0x3FB6] =	sst s9;
	s0 =	simm.s32 @!p0 $0x0  }
0x12: {  	s1 =	sld [smem:$0x3F9C];
	s0 =	simm.s32 @p0 $0x1  }
0x13: {  	[smem:$0x3FB7] =	sst s0;
	s0 =	simm.s32 @!p1 $0x0  }
0x14: {  	s2 =	sld [smem:$0x3F9B];
	s0 =	simm.s32 @p1 $0x1  }
0x15: {  	[smem:$0x3FB8] =	sst s0;
	s0 =	simm.s32 @!p2 $0x0  }
0x16: {  	s3 =	sld [smem:$0x3FDB];
	s0 =	simm.s32 @p2 $0x1  }
0x17: {  	s4 =	simm.s32 $0x1BF5;
	[smem:$0x3FBA] =	sst s0  }
0x18: {  	s0 =	sld [smem:$0x3F9D];
	_ =	swait.ge [sflag:s4], $0x0  }
0x19: {  	s7 =	sld [smem:$0x3F9E]  }
0x1a: {  	s8 =	sadd.s32 $0xFFFFE003, lr  }
0x1b: {  	s9 =	sadd.s32 $0xFFFFFEF7, lr;
	s5 =	simm.s32 $0xFFFFFFFF;
	p2 =	slt.u32 s8, $0xFFFFF086  }
0x1c: {  	p1 =	slt.u32 s9, $0xF7A;
	s5 =	simm.s32 @!p2 $0x0  }
0x1d: {  	s5 =	simm.s32 @p1 $0x1;
	p0 =	seq.s32 s7, s2  }
0x1e: {  	s7 =	smul.u32 @!p0 $0xF7A, s2;
	p2 =	seq.s32 @!p0 s5, $0x0  }
0x1f: {  	s9 =	smul.u32 $0xF7A, s1;
	s8 =	simm.s32 @!p0 $0x1BF5;
	p2 =	por !p2, p0  }
0x20: {  	[sflag:s8] =	ssyncset.s32 @!p0 $0xFFFFF086;
	s6 =	sadd.s32 @!p0 s3, s7;
	s7 =	simm.s32 @!p0 $0x108  }
0x21: {  	s3 =	sadd.s32 s3, s9;
	s6 =	sadd.s32 @!p0 $0x88, s6;
	s7 =	simm.s32 @p2 $0x1082  }
0x22: {  	[simem:s7], [sflag:s8] =	dma.local @!p0 [hbm:s6], $0xF7A  }
0x23: {  	s9 =	sor.u32 $0xD0000000, s2;
	s6 =	simm.s32 $0x108;
	_ =	swait.ge @!p0 [sflag:s8], $0x0  }
0x24: {  	s3 =	sadd.s32 $0x88, s3;
	s6 =	simm.s32 @!p1 $0x1082;
	[sflag:s4] =	ssyncset.s32 $0xFFFFF086  }
0x25: {  	[simem:s6], [sflag:s4] =	dma.local [hbm:s3], $0xF7A  }
0x26: {  	[smem:$0x3F9E] =	sst s1;
	(tag) =	ssettag s2;
	_ =	strace s9  }
0x27: {  	s1 =	sld [smem:$0x3FAE]  }
0x28: {  	s2 =	sld [smem:$0x3FAF]  }
0x29: {  	s4 =	sld [smem:$0x3FB1]  }
0x2a: {  	p0 =	seq.s32 s5, $0x0;
	s5 =	sld [smem:$0x3FB2]  }
0x2b: {  	s6 =	sld [smem:$0x3FB3]  }
0x2c: {  	s7 =	sld [smem:$0x3FB4]  }
0x2d: {  	s3 =	simm.s32 $0x108;
	s8 =	sld [smem:$0x3FB5]  }
0x2e: {  	s3 =	simm.s32 @!p0 $0x1082;
	s9 =	sld [smem:$0x3FB6]  }
0x2f: {  	lr =	sadd.s32 s0, s3;
	s0 =	sld [smem:$0x3FAD]  }
0x30: {  	s3 =	sld [smem:$0x3FB0]  }
0x31: {  	[smem:$0x3FB9] =	sst s10  }
0x32: {  	s10 =	sld [smem:$0x3FB7];
	_ =	sdelay $0x3  }
0x33: {  	p0 =	seq.s32 s10, $0x1;
	s10 =	sld [smem:$0x3FB9];
	_ =	sdelay $0x3  }
0x34: {  	[smem:$0x3FB9] =	sst s10  }
0x35: {  	s10 =	sld [smem:$0x3FB8];
	_ =	sdelay $0x3  }
0x36: {  	p1 =	seq.s32 s10, $0x1;
	s10 =	sld [smem:$0x3FB9];
	_ =	sdelay $0x3  }
0x37: {  	[smem:$0x3FB9] =	sst s10  }
0x38: {  	s10 =	sld [smem:$0x3FBA]  }
0x39: {  	_ = 	snop;
	(pc) =	sbr.ind lr, $3  }
0x3a: {  	_ = 	snop  }
0x3b: {  	_ = 	snop  }
0x3c: {  	p2 =	seq.s32 s10, $0x1;
	s10 =	sld [smem:$0x3FB9]  }
0x3d: {  	_ =	shalt  }
0x3e: {  	_ =	shalt  }
0x3f: {  	_ =	shalt  }
0x40: {  	_ =	shalt  }
0x41: {  	_ =	shalt  }
0x42: {  	_ =	shalt  }
0x43: {  	_ =	shalt  }
0x44: {  	_ =	shalt  }
0x45: {  	_ =	shalt  }
0x46: {  	_ =	shalt  }
0x47: {  	_ =	shalt  }
0x48: {  	_ =	shalt  }
0x49: {  	_ =	shalt  }
0x4a: {  	_ =	shalt  }
0x4b: {  	_ =	shalt  }
0x4c: {  	_ =	shalt  }
0x4d: {  	_ =	shalt  }
0x4e: {  	_ =	shalt  }
0x4f: {  	_ =	shalt  }
0x50: {  	_ =	shalt  }
0x51: {  	_ =	shalt  }
0x52: {  	_ =	shalt  }
0x53: {  	_ =	shalt  }
0x54: {  	_ =	shalt  }
0x55: {  	_ =	shalt  }
0x56: {  	_ =	shalt  }
0x57: {  	_ =	shalt  }
0x58: {  	_ =	shalt  }
0x59: {  	_ =	shalt  }
0x5a: {  	_ =	shalt  }
0x5b: {  	_ =	shalt  }
0x5c: {  	_ =	shalt  }
0x5d: {  	_ =	shalt  }
0x5e: {  	_ =	shalt  }
0x5f: {  	_ =	shalt  }
0x60: {  	_ =	shalt  }
0x61: {  	_ =	shalt  }
0x62: {  	_ =	shalt  }
0x63: {  	_ =	shalt  }
0x64: {  	_ =	shalt  }
0x65: {  	_ =	shalt  }
0x66: {  	_ =	shalt  }
0x67: {  	_ =	shalt  }
0x68: {  	_ =	shalt  }
0x69: {  	_ =	shalt  }
0x6a: {  	_ =	shalt  }
0x6b: {  	_ =	shalt  }
0x6c: {  	_ =	shalt  }
0x6d: {  	_ =	shalt  }
0x6e: {  	_ =	shalt  }
0x6f: {  	_ =	shalt  }
0x70: {  	_ =	shalt  }
0x71: {  	_ =	shalt  }
0x72: {  	_ =	shalt  }
0x73: {  	_ =	shalt  }
0x74: {  	_ =	shalt  }
0x75: {  	_ =	shalt  }
0x76: {  	_ =	shalt  }
0x77: {  	_ =	shalt  }
0x78: {  	_ =	shalt  }
0x79: {  	_ =	shalt  }
0x7a: {  	_ =	shalt  }
0x7b: {  	_ =	shalt  }
0x7c: {  	_ =	shalt  }
0x7d: {  	_ =	shalt  }
0x7e: {  	_ =	shalt  }
0x7f: {  	_ =	shalt  }
0x80: {  	_ =	shalt  }
0x81: {  	_ =	shalt  }
0x82: {  	_ =	shalt  }
0x83: {  	_ =	shalt  }
0x84: {  	_ =	shalt  }
0x85: {  	_ =	shalt  }
0x86: {  	_ =	shalt  }
0x87: {  	_ =	shalt  }
.Lfunc_end0:
.L_simem_size_0:
called_computation_lowered:
.L_overlay_start_0:
0x88: {  	s2 =	sld [smem:$0x3FD9]  }
0x89: {  	s3 =	sld [smem:$0x3FFE];
	_ =	sdelay $0x1  }
0x8a: {  	s1 =	srdreg.scid  }
0x8b: {  	s0 =	sand.u32 $0x1, s1  }
0x8c: {  	s17 =	sshll.u32 s0, $0xA;
	s2 =	sadd.s32 s3, s2  }
0x8d: {  	s2 =	sadd.s32 s2, s17  }
0x8e: {  	[smem:$0x3FC5] =	sst s2  }
0x8f: {  	_ = 	snop  }
0x90: {  	s2 =	sld [smem:$0x3FC9]  }
0x91: {  	s18 =	sld [smem:$0x3FD0];
	(tm) =	ssettm $0x1  }
0x92: {  	s4 =	sld [smem:$0x3FFB];
	_ =	sdelay $0x3  }
0x93: {  	_ =	strace s4  }
0x94: {  	s4 =	sld [smem:$0x3FFC];
	_ =	sdelay $0x3  }
0x95: {  	_ =	strace s4  }
0x96: {  	s4 =	sld [smem:$0x3FFD];
	_ =	sdelay $0x3  }
0x97: {  	_ =	strace s4  }
0x98: {  	_ =	strace $0x8FFFFFFF  }
0x99: {  	s19 =	sld [smem:$0x3FDB];
	_ =	sdelay $0x1  }
0x9a: {  	s5 =	simm.s32 $_scs_section_size  }
0x9b: {  	s6 =	simm.s32 $_size__tile_overlayer_lowered;
	s7 =	simm.s32 $_tile_overlayer_lowered  }
0x9c: {  	s22 =	simm.s32 $0x1BFF;
	s21 =	sshll.u32 s7, $0x1;
	s4 =	sadd.s32 s5, s19  }
0x9d: {  	s8 =	simm.s32 $0x0;
	s20 =	sshll.u32 s6, $0x1;
	s6 =	sadd.s32 s21, s4  }
0x9e: {  	[timem:s8], [sflag:s22] =	dma.local [hbm:s6], s20  }
0x9f: {  	_ =	swait.ge [sflag:s22], s20  }
0xa0: {  	s5 =	ssub.s32 $0x0, s20;
	[sflag:s22] =	ssyncset.done $0x0  }
0xa1: {  	[sflag:s22] =	ssyncadd.s32 s5;
	_ =	sdelay $0x1  }
0xa2: {  	s23 =	simm.s32 $0x1B8B  }
0xa3: {  	_ =	swait.ge [sflag:s23], $0x1  }
0xa4: {  	[sflag:s23] =	ssyncset.done $0x0  }
0xa5: {  	s25 =	simm.s32 $0x1B8E;
	s24 =	sld [smem:$0x3FFE];
	[sflag:s23] =	ssyncadd.s32 $0xFFFFFFFF  }
0xa6: {  	s26 =	simm.s32 $execute0_lowered;
	[smem:$0x3FD2] =	sst s25  }
0xa7: {  	s6 =	sshll.u32 s26, $0x1;
	_ =	strace $0x80000046;
	[dreg:$0x1] =	wrdreg $0xFFFFFFFF  }
0xa8: {  	s28 =	simm.s32 $_size_execute0_lowered;
	s4 =	sadd.s32 s4, s6;
	[dreg:$0x0] =	wrdreg $0x0  }
0xa9: {  	s6 =	sshll.u32 s28, $0x1;
	[dreg:$0x2] =	wrdreg s4  }
0xaa: {  	[dreg:$0x3] =	wrdreg s6  }
0xab: {  	[dreg:$0x4] =	wrdreg $0xC0  }
0xac: {  	_ =	task [dreg:s8], $0x5FFFF  }
0xad: {  	[dreg:$0x1] =	wrdreg $0xFFFFFFFF  }
0xae: {  	[dreg:$0x0] =	wrdreg $0x60  }
0xaf: {  	[dreg:$0x2] =	wrdreg s2  }
0xb0: {  	[dreg:$0x3] =	wrdreg s24  }
0xb1: {  	[dreg:$0x4] =	wrdreg s18  }
0xb2: {  	[dreg:$0x5] =	wrdreg $0x9  }
0xb3: {  	_ =	task.clear_ibuf [dreg:s8], $0x6FFFF;
	_ =	strace $0x90000046  }
0xb4: {  	s29 =	simm.s32 $0x9;
	_ =	strace $0x80000048  }
0xb5: {  	_ =	swait.ge [sflag:s29], $0x1  }
0xb6: {  	[sflag:s29] =	ssyncadd.s32 $0xFFFFFFFF  }
0xb7: {  	_ =	strace $0x90000048  }
0xb8: {  	_ =	sfence  }
0xb9: {  	s30 =	sld [smem:$0x0];
	_ =	sdelay $0x2  }
0xba: {  	s31 =	sshll.u32 s1, $0xD;
	s1 =	sshrl.u32 s1, $0x2  }
0xbb: {  	s3 =	sand.u32 $0x4000, s31;
	s1 =	sadd.s32 s1, s30  }
0xbc: {  	s0 =	sor.u32 s3, s0;
	s1 =	sshll.u32 s1, $0x11  }
0xbd: {  	s0 =	sor.u32 s1, s0  }
0xbe: {  	s0 =	sadd.s32 $0x8F2B, s0  }
0xbf: {  	[sflag:s0] =	ssyncadd.remote.s32 $0x1  }
0xc0: {  	_ =	sfence.sel $0xFFFF  }
0xc1: {  	[dreg:$0x0] =	wrdreg $0xFFFFFFFF;
	(pc) =	sbr.abs _section_cstart, $3  }
0xc2: {  	[dreg:$0x1] =	wrdreg $0xFFFFFFFF  }
0xc3: {  	_ =	task.clear_ibuf [dreg:s8], $0x2FFFF;
	_ =	strace $0x9FFFFFFF  }
0xc4: {  	(tm) =	ssettm $0x7FFFFFFF  }
0xc5: {  	_ =	shalt  }
tec
execute0_lowered:
.L_overlay_start_1:
0x0: {  	(tag) =	ssettag $0x1  }
0x1: {  	v0 =	vlaneseq.u32;
	s0 =	rddreg [dreg:$0x0]  }
0x2: {  	s6 =	rddreg [dreg:$0x1];
	v21 =	vmul.u32 $0x40, v0  }
0x3: {  	s2 =	rddreg [dreg:$0x2];
	s4 =	simm.s32 $0x0  }
0x4: {  	[smem:$0x7FF] =	sst s4;
	v0 =	vor.u32 $0x1403, v21  }
0x5: {  	s1 =	rddreg [dreg:$0x3];
	_ =	strace $0x80000047;
	v7 =	vor.u32 $0x141F, v21;
	[tilespmem:$0x1FE10] =	vst v0  }
0x6: {  	v11 =	vor.u32 $0x40F, v21;
	[tilespmem:$0x1FFB0] =	vst v7  }
0x7: {  	v12 =	vor.u32 $0x1C1F, v21;
	[tilespmem:$0x1FFC0] =	vst v11  }
0x8: {  	v13 =	vor.u32 $0x80F, v21;
	[tilespmem:$0x1FFD0] =	vst v12  }
0x9: {  	v14 =	vor.u32 $0xC0F, v21;
	[tilespmem:$0x1FFE0] =	vst v13  }
0xa: {  	v0 =	vor.u32 $0x1803, v21;
	[tilespmem:$0x1FFF0] =	vst v14  }
0xb: {  	[tilespmem:$0x1FE20] =	vst v0;
	v0 =	vor.u32 $0x1C03, v21  }
0xc: {  	[tilespmem:$0x1FE30] =	vst v0;
	v0 =	vor.u32 $0x1, v21  }
0xd: {  	[tilespmem:$0x1FE40] =	vst v0;
	v0 =	vor.u32 $0x401, v21  }
0xe: {  	[tilespmem:$0x1FE50] =	vst v0;
	v0 =	vor.u32 $0x801, v21  }
0xf: {  	[tilespmem:$0x1FE60] =	vst v0;
	v0 =	vor.u32 $0xC01, v21  }
0x10: {  	[tilespmem:$0x1FE70] =	vst v0;
	v0 =	vor.u32 $0x1001, v21  }
0x11: {  	[tilespmem:$0x1FE80] =	vst v0;
	v0 =	vor.u32 $0x1401, v21  }
0x12: {  	[tilespmem:$0x1FE90] =	vst v0;
	v0 =	vor.u32 $0x1801, v21  }
0x13: {  	[tilespmem:$0x1FEA0] =	vst v0;
	v0 =	vor.u32 $0x1C01, v21  }
0x14: {  	[tilespmem:$0x1FEB0] =	vst v0;
	v0 =	vor.u32 $0x400, v21  }
0x15: {  	[tilespmem:$0x1FEC0] =	vst v0;
	v0 =	vor.u32 $0x800, v21  }
0x16: {  	[tilespmem:$0x1FED0] =	vst v0;
	v0 =	vor.u32 $0xC00, v21  }
0x17: {  	[tilespmem:$0x1FEE0] =	vst v0;
	v0 =	vor.u32 $0x1000, v21  }
0x18: {  	v9 =	vimm.s32 $0x0;
	v2 =	vor.u32 $0x1F, v21;
	[tilespmem:$0x1FEF0] =	vst v0;
	v0 =	vor.u32 $0x1400, v21  }
0x19: {  	s5 =	srdreg.scid;
	s3 =	stileid.u32;
	v3 =	vor.u32 $0x41F, v21;
	v4 =	vor.u32 $0x81F, v21;
	[tilespmem:$0x1FF00] =	vst v0;
	v0 =	vor.u32 $0x1800, v21  }
0x1a: {  	s14 =	simm.s32 $0x5;
	s15 =	simm.s32 $0x2000;
	s16 =	simm.s32 $0x400;
	v5 =	vor.u32 $0xC1F, v21;
	v6 =	vor.u32 $0x101F, v21;
	[tilespmem:$0x1FF10] =	vst v0;
	v0 =	vor.u32 $0x1C00, v21  }
0x1b: {  	s17 =	simm.s32 $0x8000;
	s18 =	simm.s32 $0x4000;
	s19 =	simm.s32 $0x1;
	v10 =	vor.u32 $0x181F, v21;
	v8 =	vor.u32 $0xF, v21;
	[tilespmem:$0x1FF20] =	vst v0;
	v0 =	vadd.s32 $0xFFFFFFFF, v21  }
0x1c: {  	s20 =	simm.s32 $0xC000;
	s21 =	simm.s32 $0x2;
	s22 =	simm.s32 $0x4;
	v15 =	vor.u32 $0x100F, v21;
	v16 =	vor.u32 $0x140F, v21;
	[tilespmem:$0x1FF30] =	vst v0;
	v0 =	vadd.s32 $0x3FF, v21  }
0x1d: {  	s23 =	simm.s32 $0x10000;
	s24 =	simm.s32 $0x3;
	s25 =	simm.s32 $0x0;
	v17 =	vor.u32 $0x180F, v21;
	v18 =	vor.u32 $0x1C0F, v21;
	[tilespmem:$0x1FF40] =	vst v0;
	v0 =	vadd.s32 $0x7FF, v21  }
0x1e: {  	s7 =	sand.u32 $0x1, s5;
	s30 =	sshll.u32 s3, $0x1;
	s12 =	sadd.s32 $0x10000, s2;
	v19 =	vor.u32 $0x7, v21;
	v20 =	vor.u32 $0x407, v21;
	[tilespmem:$0x1FF50] =	vst v0;
	v0 =	vadd.s32 $0xBFF, v21  }
.Ltmp0:
0x1f: {  	s8 =	sor.u32 s7, s30;
	s7 =	ssub.s32 $0x2, s7;
	v22 =	vor.u32 $0x807, v21;
	v23 =	vor.u32 $0xC07, v21;
	[tilespmem:$0x1FF60] =	vst v0;
	v0 =	vadd.s32 $0xFFF, v21;
	(pc) =	sbr.rel .LBB2_1-.Ltmp0, $4  }
0x20: {  	v24 =	vor.u32 $0x1007, v21;
	v25 =	vor.u32 $0x1407, v21;
	s5 =	sshll.u32 s8, $0xA;
	s31 =	sshrl.u32 s7, $0x1;
	s8 =	sshll.u32 s8, $0x7;
	[tilespmem:$0x1FF70] =	vst v0;
	v0 =	vadd.s32 $0x13FF, v21  }
0x21: {  	v26 =	vor.u32 $0x1807, v21;
	v27 =	vor.u32 $0x1C07, v21;
	s9 =	sadd.s32 s5, s6;
	s13 =	ssub.s32 s7, s31;
	s7 =	sadd.s32 s0, s8;
	[tilespmem:$0x1FF80] =	vst v0;
	v0 =	vadd.s32 $0x17FF, v21  }
0x22: {  	v28 =	vor.u32 $0x3, v21;
	v29 =	vor.u32 $0x403, v21;
	s10 =	sor.u32 $0x100000, s5;
	s11 =	sor.u32 $0x180000, s5;
	s6 =	sadd.s32 $0x400, s9;
	[tilespmem:$0x1FF90] =	vst v0;
	v0 =	vadd.s32 $0x1BFF, v21  }
0x23: {  	v30 =	vor.u32 $0x803, v21;
	v31 =	vor.u32 $0xC03, v21;
	v32 =	vor.u32 $0x1003, v21;
	s8 =	sadd.s32 $0x8400, s9;
	s9 =	sadd.s32 $0x10000, s7;
	s13 =	smax.u32 s13, $0x1;
	[tilespmem:$0x1FFA0] =	vst v0  }
.LBB2_12:
0x24: {  	s25 =	sadd.s32 $0x1, s25  }
0x25: {  	_ =	swait.ge [sflag:s24], $0x4000;
	p0 =	sne.s32 s25, s13  }
.Ltmp1:
0x26: {  	[sflag:s24] =	ssyncset.done $0x0;
	(pc) =	sbr.rel @!p0 .LBB2_13-.Ltmp1, $4  }
0x27: {  	[sflag:s24] =	ssyncadd.s32 $0xFFFFC000  }
0x28: {  	_ =	swait.ge [sflag:s22], $0x4000  }
0x29: {  	[sflag:s22] =	ssyncset.done $0x0  }
0x2a: {  	[sflag:s22] =	ssyncadd.s32 $0xFFFFC000  }
.LBB2_1:
0x2b: {  	[tilespmem:s4], [sflag:$0x5] =	stream.linear.gather [hbm4b:s6+s4], $0x2000, $0x38;
	[tilespmem:$0x14000] =	vst v63  }
0x2c: {  	_ =	swait.ge [sflag:s14], $0x2000  }
0x2d: {  	[sflag:s14] =	ssyncset.done $0x0  }
0x2e: {  	[sflag:s14] =	ssyncadd.s32 $0xFFFFE000  }
0x2f: {  	[tilespmem:s15], [sflag:$0x5] =	stream.linear.gather [hbm4b:s8+s4], $0x2000, $0x38;
	[tilespmem:$0x14000] =	vst v63  }
0x30: {  	_ =	swait.ge [sflag:s14], $0x2000  }
0x31: {  	[sflag:s14] =	ssyncset.done $0x0  }
0x32: {  	[sflag:s14] =	ssyncadd.s32 $0xFFFFE000  }
0x33: {  	[tilespmem:s18], [sflag:$0x1] =	stream.strided.gather [hbm4b:s7+s16], $0x4000, s17, s16, $0x38;
	[tilespmem:$0x14000] =	vst v63  }
0x34: {  	s26 =	simm.s32 $0x0  }
0x35: {  	[tilespmem:s17], [sflag:$0x2] =	stream.strided.gather [hbm4b:s9+s16], $0x4000, s17, s16, $0x38;
	[tilespmem:$0x14000] =	vst v63  }
.LBB2_2:
0x36: {  	_ =	swait.ge [sflag:s19], $0x4000  }
0x37: {  	p0 =	seq.s32 s26, $0x0;
	[sflag:s19] =	ssyncset.done $0x0  }
0x38: {  	s29 =	simm.s32 @!p0 $0x3;
	[sflag:s19] =	ssyncadd.s32 $0xFFFFC000  }
0x39: {  	_ =	swait.ge @!p0 [sflag:s29], $0x4000  }
0x3a: {  	[sflag:s29] =	ssyncset.done @!p0 $0x0  }
0x3b: {  	s28 =	sshll.u32 s26, $0x14;
	[sflag:s29] =	ssyncadd.s32 @!p0 $0xFFFFC000;
	s29 =	simm.s32 $0x0  }
.LBB2_3:
0x3c: {  	_ =	sdelay $0x3  }
0x3d: {  	v59 =	vld.idx.msk [tilespmem:v2+s4+$0x0], $0xffff  }
0x3e: {  	v60 =	vld.idx.msk [tilespmem:v3+s4+$0x0], $0xffff  }
0x3f: {  	v33 =	vmov v2;
	v2 =	vld.idx.msk [tilespmem:v4+s4+$0x0], $0xffff  }
0x40: {  	v34 =	vmov v3;
	v3 =	vld.idx.msk [tilespmem:v5+s4+$0x0], $0xffff  }
0x41: {  	s30 =	sshra.s32 s29, $0x2;
	v35 =	vmov v4;
	v4 =	vld.idx.msk [tilespmem:v6+s4+$0x0], $0xffff  }
0x42: {  	v1 =	vld [tilespmem:s30+$0x4000]  }
0x43: {  	v63 =	vld [tilespmem:s30+$0x4010]  }
0x44: {  	v62 =	vld [tilespmem:s30+$0x4020]  }
0x45: {  	v61 =	vld [tilespmem:s30+$0x4030]  }
0x46: {  	v57 =	vld [tilespmem:s30+$0x4040]  }
0x47: {  	v58 =	vld [tilespmem:s30+$0x4050]  }
0x48: {  	v36 =	vmov v5;
	v5 =	vld.idx.msk [tilespmem:v7+s4+$0x0], $0xffff;
	vm0 =	vlt.f32 v59, v1  }
0x49: {  	v37 =	vmovc v6;
	v39 =	vmov v10;
	v10 =	vld.idx.msk [tilespmem:v10+s4+$0x0], $0xffff;
	vm6 =	vlt.f32 v60, v63;
	v6 =	vsel vm0, $0x20, v9  }
0x4a: {  	v41 =	vmovc v8;
	v59 =	vld [tilespmem:s30+$0x4060];
	vm7 =	vlt.f32 v2, v62;
	v7 =	vsel vm6, $0x20, v9;
	v8 =	vor.u32 v8, v6  }
0x4b: {  	v60 =	vld [tilespmem:s30+$0x4070];
	vm8 =	vlt.f32 v3, v61;
	v2 =	vor.u32 v11, v7;
	v11 =	vsel vm7, $0x20, v9  }
0x4c: {  	v3 =	vld.idx.msk [tilespmem:v12+s4+$0x0], $0xffff;
	vm9 =	vlt.f32 v4, v57;
	v12 =	vsel vm8, $0x20, v9;
	v4 =	vor.u32 v13, v11  }
0x4d: {  	vm10 =	vlt.f32 v5, v58;
	v5 =	vor.u32 v14, v12  }
0x4e: {  	v13 =	vsel vm9, $0x20, v9  }
0x4f: {  	v52 =	vmov v15;
	v14 =	vsel vm10, $0x20, v9;
	v15 =	vor.u32 v15, v13;
	v8 =	vld.idx.msk [tilespmem:v8+s4+$0x0], $0xffff  }
0x50: {  	vm11 =	vlt.f32 v10, v59;
	v10 =	vor.u32 v16, v14;
	v2 =	vld.idx.msk [tilespmem:v2+s4+$0x0], $0xffff  }
0x51: {  	v53 =	vmov v16;
	vm12 =	vlt.f32 v3, v60;
	v16 =	vsel vm11, $0x20, v9;
	v3 =	vld.idx.msk [tilespmem:v4+s4+$0x0], $0xffff  }
0x52: {  	v4 =	vor.u32 v17, v16;
	v5 =	vld.idx.msk [tilespmem:v5+s4+$0x0], $0xffff  }
0x53: {  	v54 =	vmov v17;
	v17 =	vsel vm12, $0x20, v9  }
0x54: {  	v55 =	vmov v18;
	v15 =	vld.idx.msk [tilespmem:v15+s4+$0x0], $0xffff;
	v18 =	vor.u32 v18, v17;
	vm13 =	vlt.f32 v8, v1  }
0x55: {  	v10 =	vld.idx.msk [tilespmem:v10+s4+$0x0], $0xffff;
	v8 =	vor.u32 $0x10, v6;
	vm14 =	vlt.f32 v2, v63;
	v2 =	vor.u32 $0x10, v7  }
0x56: {  	v6 =	vsel vm13, v8, v6;
	v2 =	vsel vm14, v2, v7  }
0x57: {  	v4 =	vld.idx.msk [tilespmem:v4+s4+$0x0], $0xffff;
	vm15 =	vlt.f32 v3, v62;
	v3 =	vor.u32 $0x10, v11;
	vm4 =	vlt.f32 v5, v61  }
0x58: {  	v5 =	vor.u32 $0x10, v12;
	v8 =	vor.u32 v20, v2;
	v3 =	vsel vm15, v3, v11  }
0x59: {  	v11 =	vld.idx.msk [tilespmem:v18+s4+$0x0], $0xffff;
	v5 =	vsel vm4, v5, v12;
	vm5 =	vlt.f32 v15, v57;
	v12 =	vor.u32 v22, v3  }
0x5a: {  	v15 =	vor.u32 $0x10, v13;
	vm1 =	vlt.f32 v10, v58;
	v10 =	vor.u32 $0x10, v14  }
0x5b: {  	v13 =	vsel vm5, v15, v13;
	v10 =	vsel vm1, v10, v14  }
0x5c: {  	v14 =	vor.u32 v23, v5;
	vm6 =	vlt.f32 v4, v59;
	v4 =	vor.u32 $0x10, v16  }
0x5d: {  	v15 =	vor.u32 v24, v13;
	v8 =	vld.idx.msk [tilespmem:v8+s4+$0x0], $0xffff;
	v4 =	vsel vm6, v4, v16  }
0x5e: {  	v16 =	vor.u32 v25, v10;
	vm7 =	vlt.f32 v11, v60;
	v11 =	vor.u32 $0x10, v17;
	v12 =	vld.idx.msk [tilespmem:v12+s4+$0x0], $0xffff  }
0x5f: {  	v18 =	vor.u32 v26, v4;
	v11 =	vsel vm7, v11, v17  }
0x60: {  	v17 =	vor.u32 v27, v11  }
0x61: {  	v14 =	vld.idx.msk [tilespmem:v14+s4+$0x0], $0xffff  }
0x62: {  	v7 =	vor.u32 v19, v6;
	v15 =	vld.idx.msk [tilespmem:v15+s4+$0x0], $0xffff  }
0x63: {  	vm9 =	vlt.f32 v8, v63;
	v8 =	vld.idx.msk [tilespmem:v16+s4+$0x0], $0xffff;
	vm10 =	vlt.f32 v12, v62;
	v12 =	vor.u32 $0x8, v3  }
0x64: {  	v16 =	vld.idx.msk [tilespmem:v18+s4+$0x0], $0xffff;
	v3 =	vsel vm10, v12, v3  }
0x65: {  	v12 =	vld.idx.msk [tilespmem:v17+s4+$0x0], $0xffff;
	v17 =	vor.u32 v30, v3  }
0x66: {  	v0 =	vld [tilespmem:$0x1FE10];
	vm11 =	vlt.f32 v14, v61;
	v14 =	vor.u32 $0x8, v5  }
0x67: {  	v7 =	vld.idx.msk [tilespmem:v7+s4+$0x0], $0xffff;
	vm12 =	vlt.f32 v15, v57;
	v5 =	vsel vm11, v14, v5;
	v14 =	vor.u32 $0x8, v13  }
0x68: {  	v15 =	vor.u32 $0x8, v4;
	v13 =	vsel vm12, v14, v13  }
0x69: {  	v14 =	vor.u32 $0x8, v10;
	vm13 =	vlt.f32 v8, v58;
	vm14 =	vlt.f32 v16, v59  }
0x6a: {  	v10 =	vsel vm13, v14, v10;
	v4 =	vsel vm14, v15, v4;
	v15 =	vld.idx.msk [tilespmem:v17+s4+$0x0], $0xffff  }
0x6b: {  	v17 =	vor.u32 v0, v10;
	v0 =	vld [tilespmem:$0x1FE20]  }
0x6c: {  	vm8 =	vlt.f32 v7, v1;
	v7 =	vor.u32 $0x8, v6  }
0x6d: {  	v6 =	vsel vm8, v7, v6;
	v7 =	vor.u32 $0x8, v2  }
0x6e: {  	v2 =	vsel vm9, v7, v2;
	v7 =	vor.u32 v28, v6  }
0x6f: {  	v18 =	vor.u32 v29, v2;
	vm15 =	vlt.f32 v12, v60;
	v12 =	vor.u32 $0x8, v11  }
0x70: {  	v11 =	vsel vm15, v12, v11;
	v12 =	vor.u32 v0, v4;
	v0 =	vld [tilespmem:$0x1FE30];
	_ =	sdelay $0x2  }
0x71: {  	v7 =	vld.idx.msk [tilespmem:v7+s4+$0x0], $0xffff  }
0x72: {  	v16 =	vld.idx.msk [tilespmem:v18+s4+$0x0], $0xffff  }
0x73: {  	v18 =	vor.u32 v0, v11;
	v0 =	vld [tilespmem:$0x1FE40];
	_ =	sdelay $0x2  }
0x74: {  	vm4 =	vlt.f32 v7, v1;
	v7 =	vor.u32 $0x4, v6  }
0x75: {  	v6 =	vsel vm4, v7, v6;
	vm5 =	vlt.f32 v16, v63;
	v7 =	vor.u32 $0x4, v2  }
0x76: {  	v2 =	vsel vm5, v7, v2;
	v7 =	vadd.s32 v0, v6;
	v0 =	vld [tilespmem:$0x1FE50];
	_ =	sdelay $0x2  }
0x77: {  	v8 =	vor.u32 v31, v5  }
0x78: {  	v14 =	vor.u32 v32, v13;
	v16 =	vld.idx.msk [tilespmem:v17+s4+$0x0], $0xffff  }
0x79: {  	v17 =	vadd.s32 v0, v2;
	v0 =	vld [tilespmem:$0x1FE60];
	_ =	sdelay $0x2  }
0x7a: {  	v8 =	vld.idx.msk [tilespmem:v8+s4+$0x0], $0xffff;
	vm6 =	vlt.f32 v15, v62;
	v15 =	vor.u32 $0x4, v3  }
0x7b: {  	v14 =	vld.idx.msk [tilespmem:v14+s4+$0x0], $0xffff;
	v3 =	vsel vm6, v15, v3  }
0x7c: {  	v15 =	vadd.s32 v0, v3;
	v0 =	vld [tilespmem:$0x1FE70];
	_ =	sdelay $0x2  }
0x7d: {  	vm7 =	vlt.f32 v8, v61;
	v8 =	vor.u32 $0x4, v5;
	v12 =	vld.idx.msk [tilespmem:v12+s4+$0x0], $0xffff  }
0x7e: {  	v5 =	vsel vm7, v8, v5  }
0x7f: {  	vm8 =	vlt.f32 v14, v57;
	v14 =	vadd.s32 v0, v5;
	v0 =	vld [tilespmem:$0x1FE80];
	_ =	sdelay $0x2  }
0x80: {  	v8 =	vor.u32 $0x4, v13;
	vm10 =	vlt.f32 v12, v59;
	v12 =	vor.u32 $0x4, v4  }
0x81: {  	v8 =	vsel vm8, v8, v13;
	v4 =	vsel vm10, v12, v4;
	v12 =	vld.idx.msk [tilespmem:v15+s4+$0x0], $0xffff  }
0x82: {  	v15 =	vadd.s32 v0, v8;
	v0 =	vld [tilespmem:$0x1FE90];
	_ =	sdelay $0x2  }
0x83: {  	vm9 =	vlt.f32 v16, v58;
	v16 =	vor.u32 $0x4, v10;
	v18 =	vld.idx.msk [tilespmem:v18+s4+$0x0], $0xffff  }
0x84: {  	v10 =	vsel vm9, v16, v10;
	v13 =	vld.idx.msk [tilespmem:v17+s4+$0x0], $0xffff  }
0x85: {  	v17 =	vadd.s32 v0, v10;
	v0 =	vld [tilespmem:$0x1FEA0];
	_ =	sdelay $0x2  }
0x86: {  	v7 =	vld.idx.msk [tilespmem:v7+s4+$0x0], $0xffff  }
0x87: {  	v16 =	vor.u32 $0x4, v11;
	vm11 =	vlt.f32 v18, v60  }
0x88: {  	v11 =	vsel vm11, v16, v11;
	v16 =	vadd.s32 v0, v4;
	v0 =	vld [tilespmem:$0x1FEB0]  }
0x89: {  	v38 =	vld [tilespmem:$0x1FED0]  }
0x8a: {  	v40 =	vld [tilespmem:$0x1FEE0]  }
0x8b: {  	vm12 =	vlt.f32 v7, v1;
	v7 =	vadd.s32 $0x2, v6;
	v14 =	vld.idx.msk [tilespmem:v14+s4+$0x0], $0xffff  }
0x8c: {  	v6 =	vsel vm12, v7, v6;
	vm13 =	vlt.f32 v13, v63;
	v13 =	vadd.s32 $0x2, v2;
	v7 =	vld.idx.msk [tilespmem:v15+s4+$0x0], $0xffff  }
0x8d: {  	vm14 =	vlt.f32 v12, v62;
	v12 =	vadd.s32 $0x2, v3;
	v15 =	vld.idx.msk [tilespmem:v17+s4+$0x0], $0xffff;
	v18 =	vadd.s32 v0, v11  }
0x8e: {  	v2 =	vsel vm13, v13, v2;
	v13 =	vadd.s32 v21, v6;
	v3 =	vsel vm14, v12, v3;
	v0 =	vld [tilespmem:$0x1FEC0]  }
0x8f: {  	v48 =	vld [tilespmem:$0x1FEF0];
	v17 =	vadd.s32 v38, v3  }
0x90: {  	v49 =	vld [tilespmem:$0x1FF00];
	vm15 =	vlt.f32 v14, v61;
	v14 =	vadd.s32 $0x2, v5  }
0x91: {  	v5 =	vsel vm15, v14, v5;
	vm4 =	vlt.f32 v7, v57;
	v7 =	vadd.s32 $0x2, v8;
	v16 =	vld.idx.msk [tilespmem:v16+s4+$0x0], $0xffff  }
0x92: {  	v7 =	vsel vm4, v7, v8;
	v14 =	vld.idx.msk [tilespmem:v18+s4+$0x0], $0xffff;
	v18 =	vadd.s32 v40, v5  }
0x93: {  	v13 =	vld.idx.msk [tilespmem:v13+s4+$0x0], $0xffff;
	v8 =	vadd.s32 $0x2, v10;
	vm5 =	vlt.f32 v15, v58;
	v12 =	vadd.s32 v0, v2  }
0x94: {  	v8 =	vsel vm5, v8, v10;
	v10 =	vld.idx.msk [tilespmem:v17+s4+$0x0], $0xffff  }
0x95: {  	v50 =	vld [tilespmem:$0x1FF10]  }
0x96: {  	v51 =	vld [tilespmem:$0x1FF20];
	vm6 =	vlt.f32 v16, v59;
	v16 =	vadd.s32 v49, v8  }
0x97: {  	v17 =	vadd.s32 $0x2, v4;
	v18 =	vld.idx.msk [tilespmem:v18+s4+$0x0], $0xffff  }
0x98: {  	vm8 =	vlt.f32 v13, v1;
	v15 =	vadd.s32 v48, v7;
	v4 =	vsel vm6, v17, v4;
	v12 =	vld.idx.msk [tilespmem:v12+s4+$0x0], $0xffff  }
0x99: {  	vm10 =	vlt.f32 v10, v62;
	vm7 =	vlt.f32 v14, v60;
	v14 =	vadd.s32 $0x2, v11  }
0x9a: {  	v13 =	vadd.s32 v50, v4;
	v11 =	vsel vm7, v14, v11;
	v14 =	vsel vm8, $0x1, v9  }
0x9b: {  	v10 =	vld.idx.msk [tilespmem:v16+s4+$0x0], $0xffff;
	v6 =	vadd.s32 v14, v6;
	v14 =	vsel vm10, $0x1, v9  }
0x9c: {  	v16 =	vld [tilespmem:$0x1FF30];
	v3 =	vadd.s32 v14, v3;
	vm11 =	vlt.f32 v18, v61  }
0x9d: {  	vm9 =	vlt.f32 v12, v63;
	v12 =	vld.idx.msk [tilespmem:v15+s4+$0x0], $0xffff;
	v15 =	vadd.s32 v51, v11;
	v14 =	vsel vm11, $0x1, v9  }
0x9e: {  	v5 =	vadd.s32 v14, v5;
	v14 =	vld [tilespmem:$0x1FF40]  }
0x9f: {  	v13 =	vld.idx.msk [tilespmem:v13+s4+$0x0], $0xffff  }
0xa0: {  	v17 =	vsel vm9, $0x1, v9  }
0xa1: {  	v6 =	vmax.u32 v6, $0x1;
	vm13 =	vlt.f32 v10, v58;
	v10 =	vld [tilespmem:$0x1FF60];
	v2 =	vadd.s32 v17, v2  }
0xa2: {  	v16 =	vadd.s32 v16, v6;
	v2 =	vmax.u32 v2, $0x1;
	v15 =	vld.idx.msk [tilespmem:v15+s4+$0x0], $0xffff  }
0xa3: {  	v3 =	vmax.u32 v3, $0x1;
	vm12 =	vlt.f32 v12, v57;
	v12 =	vld [tilespmem:$0x1FF50];
	v14 =	vadd.s32 v14, v2  }
0xa4: {  	v6 =	vadd.s32 v21, v6;
	vm14 =	vlt.f32 v13, v59;
	v2 =	vadd.s32 v0, v2;
	v0 =	vld [tilespmem:$0x1FF70]  }
0xa5: {  	v56 =	vmovc v19;
	v43 =	vmovc v22;
	v22 =	vld [tilespmem:$0x1FF90];
	v5 =	vmax.u32 v5, $0x1;
	v19 =	vsel vm14, $0x1, v9;
	v17 =	vsel vm12, $0x1, v9  }
0xa6: {  	v45 =	vmovc v24;
	v24 =	vld [tilespmem:$0x1FFA0];
	v4 =	vadd.s32 v19, v4;
	v7 =	vadd.s32 v17, v7;
	v17 =	vsel vm13, $0x1, v9  }
0xa7: {  	v10 =	vadd.s32 v10, v5;
	v5 =	vadd.s32 v40, v5;
	v8 =	vadd.s32 v17, v8;
	v17 =	vld.idx.msk [tilespmem:v16+s4+$0x0], $0xffff  }
0xa8: {  	v7 =	vmax.u32 v7, $0x1;
	v12 =	vadd.s32 v12, v3;
	vm15 =	vlt.f32 v15, v60;
	v18 =	vld.idx.msk [tilespmem:v14+s4+$0x0], $0xffff  }
0xa9: {  	v3 =	vadd.s32 v38, v3;
	v19 =	vsel vm15, $0x1, v9;
	v13 =	vadd.s32 v0, v7;
	v0 =	vld [tilespmem:$0x1FF80]  }
0xaa: {  	v11 =	vadd.s32 v19, v11;
	v19 =	vld.idx.msk [tilespmem:v6+s4+$0x0], $0xffff  }
0xab: {  	v44 =	vmov v23;
	v4 =	vmax.u32 v4, $0x1;
	v23 =	vld.idx.msk [tilespmem:v2+s4+$0x0], $0xffff  }
0xac: {  	v42 =	vmov v21;
	v22 =	vadd.s32 v22, v4;
	v21 =	vld.idx.msk [tilespmem:v10+s4+$0x0], $0xffff  }
0xad: {  	v38 =	vmov v28;
	v28 =	vld.idx.msk [tilespmem:v5+s4+$0x0], $0xffff;
	v7 =	vadd.s32 v48, v7;
	v11 =	vmax.u32 v11, $0x1  }
0xae: {  	v8 =	vmax.u32 v8, $0x1;
	v48 =	vmov v27;
	v24 =	vadd.s32 v24, v11;
	v27 =	vld.idx.msk [tilespmem:v3+s4+$0x0], $0xffff  }
0xaf: {  	v15 =	vadd.s32 v0, v8;
	v0 =	vmov v20;
	v20 =	vld.idx.msk [tilespmem:v12+s4+$0x0], $0xffff;
	v19 =	vsub.f32 v19, v17  }
0xb0: {  	v46 =	vmov v25;
	v25 =	vld.idx.msk [tilespmem:v13+s4+$0x0], $0xffff;
	v8 =	vadd.s32 v49, v8;
	v23 =	vsub.f32 v23, v18  }
0xb1: {  	v4 =	vadd.s32 v50, v4;
	v49 =	vmov v29;
	v29 =	vld.idx.msk [tilespmem:v22+s4+$0x0], $0xffff;
	v19 =	vadd.f32 $9.999999970e-07, v19  }
0xb2: {  	v50 =	vmov v31;
	v11 =	vadd.s32 v51, v11;
	v31 =	vld.idx.msk [tilespmem:v7+s4+$0x0], $0xffff;
	v23 =	vadd.f32 $9.999999970e-07, v23  }
0xb3: {  	v40 =	vmov v30;
	v30 =	vld.idx.msk [tilespmem:v24+s4+$0x0], $0xffff;
	(erf) = vrcp.f32 v19  }
0xb4: {  	v47 =	vmov v26;
	v26 =	vld.idx.msk [tilespmem:v15+s4+$0x0], $0xffff;
	(erf) = vrcp.f32 v23  }
0xb5: {  	v51 =	vmov v32;
	v32 =	vld.idx.msk [tilespmem:v8+s4+$0x0], $0xffff;
	v19 =	vsub.f32 v27, v20  }
0xb6: {  	v1 =	vsub.f32 v1, v17;
	v27 =	vld.idx.msk [tilespmem:v4+s4+$0x0], $0xffff;
	v23 =	vsub.f32 v28, v21  }
0xb7: {  	v28 =	vld.idx.msk [tilespmem:v11+s4+$0x0], $0xffff;
	v17 =	vsub.f32 v31, v25;
	v19 =	vadd.f32 $9.999999970e-07, v19  }
0xb8: {  	v16 =	vld.idx.msk [tilespmem:v16+s15+$0x0], $0xffff  }
0xb9: {  	v14 =	vld.idx.msk [tilespmem:v14+s15+$0x0], $0xffff;
	v23 =	vadd.f32 $9.999999970e-07, v23;
	v17 =	vadd.f32 $9.999999970e-07, v17;
	(erf) = vrcp.f32 v19  }
0xba: {  	v6 =	vld.idx.msk [tilespmem:v6+s15+$0x0], $0xffff  }
0xbb: {  	v2 =	vld.idx.msk [tilespmem:v2+s15+$0x0], $0xffff;
	v18 =	vsub.f32 v63, v18;
	(erf) = vrcp.f32 v23;
	v19 =	vsub.f32 v32, v26  }
0xbc: {  	v3 =	vld.idx.msk [tilespmem:v3+s15+$0x0], $0xffff;
	v23 =	vsub.f32 v27, v29;
	v28 =	vsub.f32 v28, v30;
	v27 =	vpop (erf)  }
0xbd: {  	v12 =	vld.idx.msk [tilespmem:v12+s15+$0x0], $0xffff;
	(erf) = vrcp.f32 v17;
	v17 =	vpop (erf)  }
0xbe: {  	v19 =	vadd.f32 $9.999999970e-07, v19;
	v17 =	vmul.f32 v17, v18;
	v18 =	vadd.f32 $9.999999970e-07, v28  }
0xbf: {  	v10 =	vld.idx.msk [tilespmem:v10+s15+$0x0], $0xffff;
	v23 =	vadd.f32 $9.999999970e-07, v23  }
0xc0: {  	v5 =	vld.idx.msk [tilespmem:v5+s15+$0x0], $0xffff;
	v6 =	vsub.f32 v6, v16;
	(erf) = vrcp.f32 v19  }
0xc1: {  	v13 =	vld.idx.msk [tilespmem:v13+s15+$0x0], $0xffff;
	v1 =	vmul.f32 v27, v1;
	v19 =	vsub.f32 v62, v20;
	(erf) = vrcp.f32 v23  }
0xc2: {  	v2 =	vsub.f32 v2, v14;
	v7 =	vld.idx.msk [tilespmem:v7+s15+$0x0], $0xffff;
	v3 =	vsub.f32 v3, v12;
	(erf) = vrcp.f32 v18;
	v18 =	vpop (erf)  }
0xc3: {  	v15 =	vld.idx.msk [tilespmem:v15+s15+$0x0], $0xffff;
	v20 =	vsub.f32 v61, v21;
	v1 =	vmul.f32 v6, v1;
	v6 =	vmul.f32 v18, v19  }
0xc4: {  	v4 =	vld.idx.msk [tilespmem:v4+s15+$0x0], $0xffff;
	v2 =	vmul.f32 v2, v17;
	v18 =	vpop (erf)  }
0xc5: {  	v5 =	vsub.f32 v5, v10;
	v11 =	vld.idx.msk [tilespmem:v11+s15+$0x0], $0xffff;
	v17 =	vmul.f32 v18, v20;
	v3 =	vmul.f32 v3, v6  }
0xc6: {  	v6 =	vld.idx.msk [tilespmem:v8+s15+$0x0], $0xffff;
	v8 =	vsub.f32 v57, v25  }
0xc7: {  	v21 =	vld.idx.msk [tilespmem:v22+s15+$0x0], $0xffff;
	v5 =	vmul.f32 v5, v17;
	v3 =	vadd.f32 v3, v12;
	v12 =	vpop (erf)  }
0xc8: {  	v7 =	vsub.f32 v7, v13;
	v1 =	vadd.f32 v1, v16;
	v19 =	vld.idx.msk [tilespmem:v24+s15+$0x0], $0xffff;
	v8 =	vmul.f32 v12, v8  }
0xc9: {  	v5 =	vadd.f32 v5, v10;
	v10 =	vsub.f32 v58, v26  }
0xca: {  	v2 =	vadd.f32 v2, v14;
	v12 =	vsub.f32 v59, v29;
	v14 =	vpop (erf)  }
0xcb: {  	v16 =	vpop (erf);
	v10 =	vmul.f32 v14, v10;
	v14 =	vsub.f32 v60, v30;
	v6 =	vsub.f32 v6, v15  }
0xcc: {  	v4 =	vsub.f32 v4, v21;
	[tilespmem:s30+$0xC000] =	vst v1;
	v1 =	vmul.f32 v7, v8;
	v7 =	vmul.f32 v16, v12;
	v8 =	vpop (erf)  }
0xcd: {  	[tilespmem:s30+$0xC010] =	vst v2;
	v2 =	vmul.f32 v6, v10;
	v6 =	vmul.f32 v8, v14;
	v8 =	vsub.f32 v11, v19;
	_ =	sdelay $0x1  }
0xce: {  	[tilespmem:s30+$0xC020] =	vst v3;
	v3 =	vmul.f32 v4, v7;
	v2 =	vadd.f32 v2, v15;
	v4 =	vmul.f32 v8, v6  }
0xcf: {  	p1 =	sne.s32 s29, $0xFE00;
	v31 =	vmov v50;
	v32 =	vmov v51;
	v1 =	vadd.f32 v1, v13  }
.Ltmp2:
0xd0: {  	v27 =	vmovc v48;
	v22 =	vmovc v43;
	v28 =	vmov v38;
	v23 =	vmov v44;
	v12 =	vld [tilespmem:$0x1FFD0];
	[tilespmem:s30+$0xC050] =	vst v2;
	v2 =	vadd.f32 v4, v19;
	(pc) =	sbr.rel @p1 .LBB2_3-.Ltmp2, $4  }
0xd1: {  	v24 =	vmovc v45;
	v20 =	vmovc v0;
	v18 =	vmov v55;
	v25 =	vmov v46;
	v13 =	vld [tilespmem:$0x1FFE0];
	[tilespmem:s30+$0xC040] =	vst v1;
	v1 =	vadd.f32 v3, v21  }
0xd2: {  	v17 =	vmovc v54;
	v26 =	vmovc v47;
	v29 =	vmov v49;
	v30 =	vmov v40;
	v16 =	vmov v53;
	[tilespmem:s30+$0xC030] =	vst v5;
	v7 =	vld [tilespmem:$0x1FFB0]  }
0xd3: {  	v5 =	vmovc v36;
	v14 =	vld [tilespmem:$0x1FFF0];
	v10 =	vmovc v39;
	v15 =	vmov v52;
	v21 =	vmov v42;
	v3 =	vmov v34;
	[tilespmem:s30+$0xC060] =	vst v1  }
0xd4: {  	s29 =	sadd.s32 $0x200, s29;
	v11 =	vld [tilespmem:$0x1FFC0];
	v8 =	vmovc v41;
	v6 =	vmovc v37;
	v19 =	vmov v56;
	v4 =	vmov v35;
	[tilespmem:s30+$0xC070] =	vst v2;
	v2 =	vmov v33  }
0xd5: {  	p1 =	sne.s32 s26, $0x1F  }
.Ltmp3:
0xd6: {  	_ = 	snop;
	(pc) =	sbr.rel @p1 .LBB2_6-.Ltmp3, $4  }
0xd7: {  	s29 =	sor.u32 s5, s28  }
0xd8: {  	s29 =	sshrl.u32 s29, $0x3  }
0xd9: {  	s30 =	sadd.s32 s2, s29  }
0xda: {  	[hbm4b:s30+s16] =	stream.strided.scatter [tilespmem:s20], [sflag:$0x3], $0x4000, s17, s16, $0x38;
	[tilespmem:$0x14000] =	vst v63  }
.Ltmp4:
0xdb: {  	(pc) =	sbr.rel .LBB2_7-.Ltmp4, $4  }
0xdc: {  	_ = 	snop  }
0xdd: {  	_ =	swait.ge [sflag:s21], $0x4000  }
0xde: {  	[sflag:s21] =	ssyncset.done $0x0  }
0xdf: {  	[sflag:s21] =	ssyncadd.s32 $0xFFFFC000  }
.LBB2_6:
0xe0: {  	s30 =	sadd.s32 s10, s28  }
0xe1: {  	s30 =	sshrl.u32 s30, $0x3  }
.Ltmp5:
0xe2: {  	s30 =	sadd.s32 s0, s30;
	(pc) =	sbr.rel @p0 .LBB2_8-.Ltmp5, $4  }
0xe3: {  	[tilespmem:s18], [sflag:$0x1] =	stream.strided.gather [hbm4b:s30+s16], $0x4000, s17, s16, $0x38;
	[tilespmem:$0x14000] =	vst v63  }
0xe4: {  	_ =	swait.ge [sflag:s21], $0x4000  }
0xe5: {  	[sflag:s21] =	ssyncset.done $0x0  }
0xe6: {  	[sflag:s21] =	ssyncadd.s32 $0xFFFFC000  }
.LBB2_7:
0xe7: {  	_ =	swait.ge [sflag:s22], $0x4000  }
0xe8: {  	[sflag:s22] =	ssyncset.done $0x0  }
0xe9: {  	[sflag:s22] =	ssyncadd.s32 $0xFFFFC000  }
.LBB2_8:
0xea: {  	s30 =	simm.s32 $0x0  }
.LBB2_9:
0xeb: {  	v2 =	vld.idx.msk [tilespmem:v33+s4+$0x0], $0xffff  }
0xec: {  	v3 =	vld.idx.msk [tilespmem:v34+s4+$0x0], $0xffff  }
0xed: {  	v4 =	vld.idx.msk [tilespmem:v35+s4+$0x0], $0xffff  }
0xee: {  	v5 =	vld.idx.msk [tilespmem:v36+s4+$0x0], $0xffff  }
0xef: {  	s31 =	sshra.s32 s30, $0x2;
	v6 =	vld.idx.msk [tilespmem:v37+s4+$0x0], $0xffff  }
0xf0: {  	v1 =	vld [tilespmem:s31+$0x8000]  }
0xf1: {  	v63 =	vld [tilespmem:s31+$0x8010]  }
0xf2: {  	v10 =	vld.idx.msk [tilespmem:v39+s4+$0x0], $0xffff  }
0xf3: {  	v62 =	vld [tilespmem:s31+$0x8020]  }
0xf4: {  	v57 =	vld [tilespmem:s31+$0x8040]  }
0xf5: {  	v61 =	vld [tilespmem:s31+$0x8030];
	vm0 =	vlt.f32 v2, v1  }
0xf6: {  	v2 =	vld.idx.msk [tilespmem:v7+s4+$0x0], $0xffff;
	vm6 =	vlt.f32 v3, v63;
	v7 =	vsel vm0, $0x20, v9  }
0xf7: {  	v58 =	vld [tilespmem:s31+$0x8050];
	v3 =	vsel vm6, $0x20, v9;
	v8 =	vor.u32 v41, v7  }
0xf8: {  	v59 =	vld [tilespmem:s31+$0x8060];
	vm7 =	vlt.f32 v4, v62;
	v4 =	vor.u32 v11, v3  }
0xf9: {  	v60 =	vld [tilespmem:s31+$0x8070];
	vm9 =	vlt.f32 v6, v57;
	v11 =	vsel vm7, $0x20, v9  }
0xfa: {  	vm8 =	vlt.f32 v5, v61;
	v5 =	vld.idx.msk [tilespmem:v12+s4+$0x0], $0xffff;
	v6 =	vor.u32 v13, v11;
	v13 =	vsel vm9, $0x20, v9  }
0xfb: {  	v12 =	vsel vm8, $0x20, v9;
	v15 =	vor.u32 v52, v13  }
0xfc: {  	vm10 =	vlt.f32 v2, v58;
	v2 =	vor.u32 v14, v12;
	v8 =	vld.idx.msk [tilespmem:v8+s4+$0x0], $0xffff  }
0xfd: {  	v4 =	vld.idx.msk [tilespmem:v4+s4+$0x0], $0xffff  }
0xfe: {  	vm11 =	vlt.f32 v10, v59;
	v14 =	vsel vm10, $0x20, v9  }
0xff: {  	vm12 =	vlt.f32 v5, v60;
	v10 =	vor.u32 v16, v14;
	v16 =	vsel vm11, $0x20, v9;
	v5 =	vld.idx.msk [tilespmem:v6+s4+$0x0], $0xffff  }
0x100: {  	v6 =	vor.u32 v17, v16;
	v17 =	vsel vm12, $0x20, v9;
	v15 =	vld.idx.msk [tilespmem:v15+s4+$0x0], $0xffff  }
0x101: {  	v18 =	vor.u32 v55, v17;
	v2 =	vld.idx.msk [tilespmem:v2+s4+$0x0], $0xffff;
	vm13 =	vlt.f32 v8, v1  }
0x102: {  	v8 =	vor.u32 $0x10, v7;
	vm14 =	vlt.f32 v4, v63;
	v4 =	vor.u32 $0x10, v3  }
0x103: {  	v7 =	vsel vm13, v8, v7;
	v3 =	vsel vm14, v4, v3  }
0x104: {  	v10 =	vld.idx.msk [tilespmem:v10+s4+$0x0], $0xffff;
	vm15 =	vlt.f32 v5, v62;
	v5 =	vor.u32 $0x10, v11;
	v4 =	vor.u32 v19, v7  }
0x105: {  	v6 =	vld.idx.msk [tilespmem:v6+s4+$0x0], $0xffff;
	v8 =	vor.u32 v20, v3;
	v5 =	vsel vm15, v5, v11  }
0x106: {  	vm5 =	vlt.f32 v15, v57;
	vm4 =	vlt.f32 v2, v61;
	v2 =	vor.u32 $0x10, v12  }
0x107: {  	v11 =	vld.idx.msk [tilespmem:v18+s4+$0x0], $0xffff;
	v15 =	vor.u32 $0x10, v13;
	v2 =	vsel vm4, v2, v12;
	v12 =	vor.u32 v22, v5  }
0x108: {  	v13 =	vsel vm5, v15, v13  }
0x109: {  	v15 =	vor.u32 v24, v13;
	vm1 =	vlt.f32 v10, v58;
	v4 =	vld.idx.msk [tilespmem:v4+s4+$0x0], $0xffff  }
0x10a: {  	v10 =	vor.u32 $0x10, v14;
	vm6 =	vlt.f32 v6, v59;
	v6 =	vor.u32 $0x10, v16;
	v8 =	vld.idx.msk [tilespmem:v8+s4+$0x0], $0xffff  }
0x10b: {  	v10 =	vsel vm1, v10, v14;
	v14 =	vor.u32 v23, v2;
	v6 =	vsel vm6, v6, v16  }
0x10c: {  	v16 =	vor.u32 v25, v10;
	vm7 =	vlt.f32 v11, v60;
	v11 =	vor.u32 $0x10, v17;
	v12 =	vld.idx.msk [tilespmem:v12+s4+$0x0], $0xffff  }
0x10d: {  	v18 =	vor.u32 v26, v6;
	v11 =	vsel vm7, v11, v17  }
0x10e: {  	v17 =	vor.u32 v27, v11;
	vm8 =	vlt.f32 v4, v1;
	v4 =	vor.u32 $0x8, v7  }
0x10f: {  	v15 =	vld.idx.msk [tilespmem:v15+s4+$0x0], $0xffff;
	vm9 =	vlt.f32 v8, v63;
	v4 =	vsel vm8, v4, v7;
	v7 =	vor.u32 $0x8, v3  }
0x110: {  	v14 =	vld.idx.msk [tilespmem:v14+s4+$0x0], $0xffff;
	v3 =	vsel vm9, v7, v3  }
0x111: {  	v8 =	vld.idx.msk [tilespmem:v16+s4+$0x0], $0xffff;
	v7 =	vor.u32 v28, v4;
	vm10 =	vlt.f32 v12, v62;
	v12 =	vor.u32 $0x8, v5  }
0x112: {  	v16 =	vld.idx.msk [tilespmem:v18+s4+$0x0], $0xffff;
	v18 =	vor.u32 v29, v3;
	v5 =	vsel vm10, v12, v5  }
0x113: {  	v12 =	vld.idx.msk [tilespmem:v17+s4+$0x0], $0xffff;
	v17 =	vor.u32 v30, v5;
	_ =	sdelay $0x2  }
0x114: {  	vm12 =	vlt.f32 v15, v57;
	v15 =	vor.u32 $0x8, v6;
	v7 =	vld.idx.msk [tilespmem:v7+s4+$0x0], $0xffff  }
0x115: {  	vm11 =	vlt.f32 v14, v61;
	v14 =	vor.u32 $0x8, v2;
	vm14 =	vlt.f32 v16, v59;
	v16 =	vld.idx.msk [tilespmem:v18+s4+$0x0], $0xffff  }
0x116: {  	v2 =	vsel vm11, v14, v2;
	v14 =	vor.u32 $0x8, v13;
	v6 =	vsel vm14, v15, v6;
	v15 =	vld.idx.msk [tilespmem:v17+s4+$0x0], $0xffff  }
0x117: {  	vm13 =	vlt.f32 v8, v58;
	v13 =	vsel vm12, v14, v13;
	v17 =	vld [tilespmem:$0x1FE10]  }
0x118: {  	v14 =	vor.u32 $0x8, v10;
	vm15 =	vlt.f32 v12, v60;
	v12 =	vor.u32 $0x8, v11;
	v18 =	vld [tilespmem:$0x1FE30]  }
0x119: {  	v10 =	vsel vm13, v14, v10;
	v14 =	vor.u32 v32, v13;
	v11 =	vsel vm15, v12, v11;
	v12 =	vld [tilespmem:$0x1FE20];
	_ =	sdelay $0x2  }
0x11a: {  	vm4 =	vlt.f32 v7, v1;
	v7 =	vor.u32 $0x4, v4;
	v17 =	vor.u32 v17, v10  }
0x11b: {  	v18 =	vor.u32 v18, v11;
	v4 =	vsel vm4, v7, v4  }
0x11c: {  	v14 =	vld.idx.msk [tilespmem:v14+s4+$0x0], $0xffff;
	vm5 =	vlt.f32 v16, v63;
	v7 =	vor.u32 $0x4, v3;
	v12 =	vor.u32 v12, v6  }
0x11d: {  	v3 =	vsel vm5, v7, v3;
	v7 =	vld [tilespmem:$0x1FE40];
	vm6 =	vlt.f32 v15, v62;
	v15 =	vor.u32 $0x4, v5  }
0x11e: {  	v8 =	vor.u32 v31, v2;
	v5 =	vsel vm6, v15, v5;
	v15 =	vld [tilespmem:$0x1FE60]  }
0x11f: {  	v16 =	vld.idx.msk [tilespmem:v17+s4+$0x0], $0xffff  }
0x120: {  	v17 =	vld [tilespmem:$0x1FE50]  }
0x121: {  	v18 =	vld.idx.msk [tilespmem:v18+s4+$0x0], $0xffff  }
0x122: {  	v12 =	vld.idx.msk [tilespmem:v12+s4+$0x0], $0xffff  }
0x123: {  	v8 =	vld.idx.msk [tilespmem:v8+s4+$0x0], $0xffff;
	v15 =	vadd.s32 v15, v5;
	_ =	sdelay $0x1  }
0x124: {  	v17 =	vadd.s32 v17, v3  }
0x125: {  	vm8 =	vlt.f32 v14, v57;
	v14 =	vld [tilespmem:$0x1FE70];
	v7 =	vadd.s32 v7, v4  }
0x126: {  	vm11 =	vlt.f32 v18, v60;
	v18 =	vld [tilespmem:$0x1FEB0];
	vm10 =	vlt.f32 v12, v59;
	v12 =	vor.u32 $0x4, v6  }
0x127: {  	vm7 =	vlt.f32 v8, v61;
	v8 =	vor.u32 $0x4, v2;
	v6 =	vsel vm10, v12, v6;
	v12 =	vld.idx.msk [tilespmem:v15+s4+$0x0], $0xffff  }
0x128: {  	v2 =	vsel vm7, v8, v2;
	v8 =	vor.u32 $0x4, v13;
	v15 =	vld [tilespmem:$0x1FE80]  }
0x129: {  	v8 =	vsel vm8, v8, v13;
	v13 =	vld.idx.msk [tilespmem:v17+s4+$0x0], $0xffff  }
0x12a: {  	vm9 =	vlt.f32 v16, v58;
	v16 =	vor.u32 $0x4, v10;
	v17 =	vld [tilespmem:$0x1FE90]  }
0x12b: {  	v14 =	vadd.s32 v14, v2;
	v7 =	vld.idx.msk [tilespmem:v7+s4+$0x0], $0xffff;
	v10 =	vsel vm9, v16, v10;
	v16 =	vor.u32 $0x4, v11  }
0x12c: {  	v11 =	vsel vm11, v16, v11;
	v16 =	vld [tilespmem:$0x1FEA0]  }
0x12d: {  	v19 =	vld [tilespmem:$0x1FEC0]  }
0x12e: {  	v22 =	vld [tilespmem:$0x1FED0];
	v15 =	vadd.s32 v15, v8  }
0x12f: {  	v23 =	vld [tilespmem:$0x1FEE0];
	v17 =	vadd.s32 v17, v10  }
0x130: {  	v14 =	vld.idx.msk [tilespmem:v14+s4+$0x0], $0xffff;
	vm12 =	vlt.f32 v7, v1;
	v7 =	vadd.s32 $0x2, v4  }
0x131: {  	v27 =	vld [tilespmem:$0x1FEF0];
	v18 =	vadd.s32 v18, v11;
	v4 =	vsel vm12, v7, v4;
	v16 =	vadd.s32 v16, v6  }
0x132: {  	v28 =	vld [tilespmem:$0x1FF00];
	vm14 =	vlt.f32 v12, v62;
	vm13 =	vlt.f32 v13, v63;
	v13 =	vadd.s32 $0x2, v3  }
0x133: {  	v12 =	vadd.s32 $0x2, v5;
	v3 =	vsel vm13, v13, v3;
	v7 =	vld.idx.msk [tilespmem:v15+s4+$0x0], $0xffff;
	v13 =	vadd.s32 v21, v4  }
0x134: {  	v5 =	vsel vm14, v12, v5;
	v15 =	vld.idx.msk [tilespmem:v17+s4+$0x0], $0xffff  }
0x135: {  	v29 =	vld [tilespmem:$0x1FF10];
	vm15 =	vlt.f32 v14, v61;
	v14 =	vadd.s32 $0x2, v2;
	v12 =	vadd.s32 v19, v3  }
0x136: {  	v2 =	vsel vm15, v14, v2;
	v16 =	vld.idx.msk [tilespmem:v16+s4+$0x0], $0xffff;
	v17 =	vadd.s32 v22, v5  }
0x137: {  	v14 =	vld.idx.msk [tilespmem:v18+s4+$0x0], $0xffff;
	v18 =	vadd.s32 v23, v2  }
0x138: {  	vm4 =	vlt.f32 v7, v57;
	v7 =	vadd.s32 $0x2, v8;
	v13 =	vld.idx.msk [tilespmem:v13+s4+$0x0], $0xffff  }
0x139: {  	v30 =	vld [tilespmem:$0x1FF20];
	v7 =	vsel vm4, v7, v8;
	v8 =	vadd.s32 $0x2, v10;
	vm5 =	vlt.f32 v15, v58  }
0x13a: {  	v12 =	vld.idx.msk [tilespmem:v12+s4+$0x0], $0xffff;
	v15 =	vadd.s32 v27, v7;
	v8 =	vsel vm5, v8, v10  }
0x13b: {  	vm6 =	vlt.f32 v16, v59;
	v10 =	vld.idx.msk [tilespmem:v17+s4+$0x0], $0xffff;
	v17 =	vadd.s32 $0x2, v6;
	v16 =	vadd.s32 v28, v8  }
0x13c: {  	vm7 =	vlt.f32 v14, v60;
	v18 =	vld.idx.msk [tilespmem:v18+s4+$0x0], $0xffff;
	v6 =	vsel vm6, v17, v6  }
0x13d: {  	v14 =	vadd.s32 $0x2, v11;
	vm8 =	vlt.f32 v13, v1;
	v13 =	vadd.s32 v29, v6  }
0x13e: {  	v11 =	vsel vm7, v14, v11  }
0x13f: {  	vm9 =	vlt.f32 v12, v63;
	v12 =	vld.idx.msk [tilespmem:v15+s4+$0x0], $0xffff;
	v15 =	vadd.s32 v30, v11  }
0x140: {  	v14 =	vsel vm8, $0x1, v9;
	vm10 =	vlt.f32 v10, v62;
	v10 =	vld.idx.msk [tilespmem:v16+s4+$0x0], $0xffff  }
0x141: {  	vm11 =	vlt.f32 v18, v61;
	v4 =	vadd.s32 v14, v4;
	v14 =	vsel vm10, $0x1, v9;
	v16 =	vld [tilespmem:$0x1FF30]  }
0x142: {  	v5 =	vadd.s32 v14, v5;
	v14 =	vsel vm11, $0x1, v9;
	v13 =	vld.idx.msk [tilespmem:v13+s4+$0x0], $0xffff  }
0x143: {  	v17 =	vsel vm9, $0x1, v9;
	v2 =	vadd.s32 v14, v2;
	v14 =	vld [tilespmem:$0x1FF40]  }
0x144: {  	v3 =	vadd.s32 v17, v3;
	v15 =	vld.idx.msk [tilespmem:v15+s4+$0x0], $0xffff  }
0x145: {  	v4 =	vmax.u32 v4, $0x1;
	v3 =	vmax.u32 v3, $0x1;
	vm12 =	vlt.f32 v12, v57;
	v12 =	vld [tilespmem:$0x1FF50]  }
0x146: {  	v24 =	vld [tilespmem:$0x1FFA0];
	v5 =	vmax.u32 v5, $0x1;
	v2 =	vmax.u32 v2, $0x1;
	v16 =	vadd.s32 v16, v4  }
0x147: {  	v17 =	vsel vm12, $0x1, v9;
	vm13 =	vlt.f32 v10, v58;
	v10 =	vld [tilespmem:$0x1FF60];
	v4 =	vadd.s32 v21, v4  }
0x148: {  	v7 =	vadd.s32 v17, v7;
	vm14 =	vlt.f32 v13, v59;
	v13 =	vld [tilespmem:$0x1FF70];
	v14 =	vadd.s32 v14, v3  }
0x149: {  	v17 =	vsel vm13, $0x1, v9;
	v3 =	vadd.s32 v19, v3;
	vm15 =	vlt.f32 v15, v60;
	v15 =	vld [tilespmem:$0x1FF80]  }
0x14a: {  	v19 =	vsel vm14, $0x1, v9;
	v12 =	vadd.s32 v12, v5;
	v5 =	vadd.s32 v22, v5;
	v22 =	vld [tilespmem:$0x1FF90]  }
0x14b: {  	v8 =	vadd.s32 v17, v8;
	v6 =	vadd.s32 v19, v6;
	v19 =	vsel vm15, $0x1, v9;
	v17 =	vld.idx.msk [tilespmem:v16+s4+$0x0], $0xffff  }
0x14c: {  	v10 =	vadd.s32 v10, v2;
	v11 =	vadd.s32 v19, v11;
	v19 =	vld.idx.msk [tilespmem:v4+s4+$0x0], $0xffff  }
0x14d: {  	v7 =	vmax.u32 v7, $0x1;
	v2 =	vadd.s32 v23, v2;
	v18 =	vld.idx.msk [tilespmem:v14+s4+$0x0], $0xffff  }
0x14e: {  	v13 =	vadd.s32 v13, v7;
	v23 =	vld.idx.msk [tilespmem:v3+s4+$0x0], $0xffff  }
0x14f: {  	v11 =	vmax.u32 v11, $0x1;
	v7 =	vadd.s32 v27, v7;
	v20 =	vld.idx.msk [tilespmem:v12+s4+$0x0], $0xffff  }
0x150: {  	v8 =	vmax.u32 v8, $0x1;
	v24 =	vadd.s32 v24, v11;
	v27 =	vld.idx.msk [tilespmem:v5+s4+$0x0], $0xffff  }
0x151: {  	v6 =	vmax.u32 v6, $0x1;
	v15 =	vadd.s32 v15, v8;
	v21 =	vld.idx.msk [tilespmem:v10+s4+$0x0], $0xffff  }
0x152: {  	v22 =	vadd.s32 v22, v6;
	v8 =	vadd.s32 v28, v8;
	v28 =	vld.idx.msk [tilespmem:v2+s4+$0x0], $0xffff;
	v19 =	vsub.f32 v19, v17  }
0x153: {  	v25 =	vld.idx.msk [tilespmem:v13+s4+$0x0], $0xffff;
	v23 =	vsub.f32 v23, v18  }
0x154: {  	v6 =	vadd.s32 v29, v6;
	v31 =	vld.idx.msk [tilespmem:v7+s4+$0x0], $0xffff;
	v19 =	vadd.f32 $9.999999970e-07, v19  }
0x155: {  	v11 =	vadd.s32 v30, v11;
	v30 =	vld.idx.msk [tilespmem:v24+s4+$0x0], $0xffff;
	v23 =	vadd.f32 $9.999999970e-07, v23  }
0x156: {  	v26 =	vld.idx.msk [tilespmem:v15+s4+$0x0], $0xffff;
	(erf) = vrcp.f32 v19  }
0x157: {  	v29 =	vld.idx.msk [tilespmem:v22+s4+$0x0], $0xffff;
	(erf) = vrcp.f32 v23  }
0x158: {  	v32 =	vld.idx.msk [tilespmem:v8+s4+$0x0], $0xffff;
	v19 =	vsub.f32 v27, v20  }
0x159: {  	v1 =	vsub.f32 v1, v17;
	v27 =	vld.idx.msk [tilespmem:v6+s4+$0x0], $0xffff;
	v23 =	vsub.f32 v28, v21  }
0x15a: {  	v28 =	vld.idx.msk [tilespmem:v11+s4+$0x0], $0xffff;
	v19 =	vadd.f32 $9.999999970e-07, v19;
	v17 =	vsub.f32 v31, v25  }
0x15b: {  	v16 =	vld.idx.msk [tilespmem:v16+s15+$0x0], $0xffff  }
0x15c: {  	v4 =	vld.idx.msk [tilespmem:v4+s15+$0x0], $0xffff;
	v23 =	vadd.f32 $9.999999970e-07, v23;
	(erf) = vrcp.f32 v19;
	v17 =	vadd.f32 $9.999999970e-07, v17  }
0x15d: {  	v14 =	vld.idx.msk [tilespmem:v14+s15+$0x0], $0xffff  }
0x15e: {  	v3 =	vld.idx.msk [tilespmem:v3+s15+$0x0], $0xffff;
	v18 =	vsub.f32 v63, v18;
	v19 =	vsub.f32 v32, v26;
	(erf) = vrcp.f32 v23  }
0x15f: {  	v12 =	vld.idx.msk [tilespmem:v12+s15+$0x0], $0xffff;
	v23 =	vsub.f32 v27, v29;
	v28 =	vsub.f32 v28, v30;
	v27 =	vpop (erf)  }
0x160: {  	v5 =	vld.idx.msk [tilespmem:v5+s15+$0x0], $0xffff;
	(erf) = vrcp.f32 v17;
	v17 =	vpop (erf)  }
0x161: {  	v19 =	vadd.f32 $9.999999970e-07, v19;
	v17 =	vmul.f32 v17, v18;
	v18 =	vadd.f32 $9.999999970e-07, v28  }
0x162: {  	v10 =	vld.idx.msk [tilespmem:v10+s15+$0x0], $0xffff;
	v23 =	vadd.f32 $9.999999970e-07, v23  }
0x163: {  	v2 =	vld.idx.msk [tilespmem:v2+s15+$0x0], $0xffff;
	v4 =	vsub.f32 v4, v16;
	(erf) = vrcp.f32 v19  }
0x164: {  	v13 =	vld.idx.msk [tilespmem:v13+s15+$0x0], $0xffff;
	v1 =	vmul.f32 v27, v1;
	v19 =	vsub.f32 v62, v20;
	(erf) = vrcp.f32 v23  }
0x165: {  	v7 =	vld.idx.msk [tilespmem:v7+s15+$0x0], $0xffff;
	v3 =	vsub.f32 v3, v14;
	v5 =	vsub.f32 v5, v12;
	(erf) = vrcp.f32 v18;
	v18 =	vpop (erf)  }
0x166: {  	v15 =	vld.idx.msk [tilespmem:v15+s15+$0x0], $0xffff;
	v20 =	vsub.f32 v61, v21;
	v1 =	vmul.f32 v4, v1;
	v4 =	vmul.f32 v18, v19  }
0x167: {  	v6 =	vld.idx.msk [tilespmem:v6+s15+$0x0], $0xffff;
	v3 =	vmul.f32 v3, v17;
	v18 =	vpop (erf)  }
0x168: {  	v2 =	vsub.f32 v2, v10;
	v11 =	vld.idx.msk [tilespmem:v11+s15+$0x0], $0xffff;
	v17 =	vmul.f32 v18, v20;
	v4 =	vmul.f32 v5, v4  }
0x169: {  	v5 =	vld.idx.msk [tilespmem:v8+s15+$0x0], $0xffff;
	v8 =	vsub.f32 v57, v25  }
0x16a: {  	v21 =	vld.idx.msk [tilespmem:v22+s15+$0x0], $0xffff;
	v2 =	vmul.f32 v2, v17;
	v4 =	vadd.f32 v4, v12;
	v12 =	vpop (erf)  }
0x16b: {  	v7 =	vsub.f32 v7, v13;
	v1 =	vadd.f32 v1, v16;
	v19 =	vld.idx.msk [tilespmem:v24+s15+$0x0], $0xffff;
	v8 =	vmul.f32 v12, v8  }
0x16c: {  	v2 =	vadd.f32 v2, v10;
	v10 =	vsub.f32 v58, v26  }
0x16d: {  	v3 =	vadd.f32 v3, v14;
	v12 =	vsub.f32 v59, v29;
	v14 =	vpop (erf)  }
0x16e: {  	v16 =	vpop (erf);
	v10 =	vmul.f32 v14, v10;
	v14 =	vsub.f32 v60, v30;
	v5 =	vsub.f32 v5, v15  }
0x16f: {  	v6 =	vsub.f32 v6, v21;
	[tilespmem:s31+$0x10000] =	vst v1;
	v1 =	vmul.f32 v7, v8;
	v7 =	vmul.f32 v16, v12;
	v8 =	vpop (erf)  }
0x170: {  	[tilespmem:s31+$0x10010] =	vst v3;
	v3 =	vmul.f32 v5, v10;
	v5 =	vmul.f32 v8, v14;
	v8 =	vsub.f32 v11, v19  }
0x171: {  	p0 =	sne.s32 s30, $0xFE00;
	[tilespmem:s31+$0x10020] =	vst v4;
	v1 =	vadd.f32 v1, v13;
	v4 =	vmul.f32 v6, v7  }
.Ltmp6:
0x172: {  	v12 =	vld [tilespmem:$0x1FFD0];
	[tilespmem:s31+$0x10030] =	vst v2;
	v2 =	vadd.f32 v3, v15;
	v3 =	vmul.f32 v8, v5;
	(pc) =	sbr.rel @p0 .LBB2_9-.Ltmp6, $4  }
0x173: {  	v31 =	vmov v50;
	v32 =	vmov v51;
	v13 =	vld [tilespmem:$0x1FFE0];
	[tilespmem:s31+$0x10040] =	vst v1;
	v1 =	vadd.f32 v4, v21  }
0x174: {  	v27 =	vmovc v48;
	v22 =	vmovc v43;
	v28 =	vmov v38;
	v23 =	vmov v44;
	v7 =	vld [tilespmem:$0x1FFB0];
	[tilespmem:s31+$0x10050] =	vst v2;
	v2 =	vadd.f32 v3, v19  }
0x175: {  	v24 =	vmovc v45;
	v20 =	vmovc v0;
	v25 =	vmov v46;
	v17 =	vmov v54;
	v26 =	vmov v47;
	v14 =	vld [tilespmem:$0x1FFF0];
	[tilespmem:s31+$0x10060] =	vst v1  }
0x176: {  	s30 =	sadd.s32 $0x200, s30;
	v29 =	vmovc v49;
	v30 =	vmovc v40;
	v16 =	vmov v53;
	v11 =	vld [tilespmem:$0x1FFC0];
	v21 =	vmov v42;
	v19 =	vmov v56;
	[tilespmem:s31+$0x10070] =	vst v2  }
0x177: {  	p0 =	seq.s32 s26, $0x1F  }
.Ltmp7:
0x178: {  	_ = 	snop;
	(pc) =	sbr.rel @p0 .LBB2_12-.Ltmp7, $3  }
0x179: {  	_ =	sdelay $0x1  }
0x17a: {  	v18 =	vmovc v55;
	v10 =	vmov v39;
	v6 =	vmov v37;
	v15 =	vmov v52;
	s29 =	sadd.s32 s29, s12  }
0x17b: {  	v8 =	vmovc v41;
	v5 =	vmovc v36;
	v4 =	vmov v35;
	v3 =	vmov v34;
	v2 =	vmov v33;
	[hbm4b:s29+s16] =	stream.strided.scatter [tilespmem:s23], [sflag:$0x4], $0x4000, s17, s16, $0x38;
	[tilespmem:$0x14000] =	vst v63  }
.Ltmp8:
0x17c: {  	(pc) =	sbr.rel .LBB2_2-.Ltmp8, $4  }
0x17d: {  	s28 =	sadd.s32 s11, s28  }
0x17e: {  	s28 =	sshrl.u32 s28, $0x3  }
0x17f: {  	s26 =	sadd.s32 $0x1, s26;
	s28 =	sadd.s32 s0, s28  }
0x180: {  	[tilespmem:s17], [sflag:$0x2] =	stream.strided.gather [hbm4b:s28+s16], $0x4000, s17, s16, $0x38;
	[tilespmem:$0x14000] =	vst v63  }
.LBB2_13:
0x181: {  	_ =	sfence.sel $0x180000  }
0x182: {  	[bflag:$0x0] =	sbarrier.arrive $0xFFFF  }
0x183: {  	p0 =	sne.s32 s3, $0x0;
	_ =	strace $0x90000047  }
0x184: {  	s0 =	sadd.s32 @!p0 $0x100000, s1;
	[bflag:$0x2] =	sbarrier.arrive $0xFFFF  }
0x185: {  	[sflag:s0] =	ssyncadd.tile.s32 @!p0 $0x1;
	_ =	shalt  }
.Lfunc_end2:
_tile_overlayer_lowered:
.L_overlay_start_2:
0x186: {  	(tag) =	ssettag $0x2  }
0x187: {  	s0 =	rddreg [dreg:$0x0];
	s2 =	stileid.u32  }
0x188: {  	s1 =	rddreg [dreg:$0x1];
	p0 =	sne.s32 s2, $0x0  }
0x189: {  	s3 =	rddreg [dreg:$0x2];
	[bflag:$0x3] =	sbarrier.arrive $0xFFFF;
	s2 =	simm.s32 @!p0 $0x1C05  }
0x18a: {  	[timem:s3], [sflag:s2] =	dma.local @!p0 [hbm:s0], s1  }
0x18b: {  	s0 =	simm.s32 @!p0 $0x5  }
0x18c: {  	_ =	swait.ge @!p0 [sflag:s0], s1  }
0x18d: {  	s1 =	ssub.s32 @!p0 $0x0, s1;
	[sflag:s0] =	ssyncset.done @!p0 $0x0  }
0x18e: {  	[sflag:s0] =	ssyncadd.s32 @!p0 s1  }
0x18f: {  	[bflag:$0x3] =	sbarrier.arrive $0xFFFF  }
0x190: {  	_ =	shalt  }

</sc_bundles>
